<compile_context>
chip_gen: v7x
topology: tpu7x:2x2x1
jax: 0.10.2.dev20260603
libtpu: 0.0.44.dev20260713+nightly
codegen_flags: <defaults>
</compile_context>

<pallas_src>
import functools

import jax
import jax.numpy as jnp
from jax import lax
from jax.experimental import pallas as pl
from jax.experimental.pallas import tpu as pltpu
from jax.experimental.pallas import tpu_sc as plsc

N_REAL = 1_000_000
K = N_REAL // 10
ALPHA = 5.0
NUM_WORKERS = 32
PER_TILE = 31232
VREGS_PER_TILE = PER_TILE // 16
TAIL_START = NUM_WORKERS * PER_TILE
TAIL = N_REAL - TAIL_START
TAIL_VREGS = TAIL // 16
NBINS = 16384
INT_MIN = -(2 ** 31)

_mesh = plsc.VectorSubcoreMesh(core_axis_name="c", subcore_axis_name="s")
_sc_params = pltpu.CompilerParams(needs_layout_passes=False)


def _keybits(v):
    bits = lax.bitcast_convert_type(v, jnp.int32)
    neg = lax.shift_right_arithmetic(bits, jnp.full((16,), 31, jnp.int32))
    return bits ^ (neg | jnp.full((16,), INT_MIN, jnp.int32))


@functools.partial(
    pl.kernel,
    out_type=jax.ShapeDtypeStruct((NUM_WORKERS, 128, 128), jnp.int32),
    mesh=_mesh,
    compiler_params=_sc_params,
    scratch_types=[
        pltpu.VMEM((PER_TILE,), jnp.float32),
        pltpu.VMEM((TAIL,), jnp.float32),
        pltpu.VMEM((128, 128), jnp.int32),
    ],
)
def _sc_hist(yt_hbm, cnt_hbm, yt_v, tt_v, hist_v):
    w = lax.axis_index("s") * 2 + lax.axis_index("c")
    zeros16i = jnp.zeros((16,), jnp.int32)

    @plsc.parallel_loop(0, 128, step=8)
    def _zero(r):
        for u in range(8):
            for c in range(0, 128, 16):
                hist_v[r + u, pl.ds(c, 16)] = zeros16i

    pltpu.sync_copy(yt_hbm.at[pl.ds(w * PER_TILE, PER_TILE)], yt_v)

    ones16 = jnp.ones((16,), jnp.int32)
    c25 = jnp.full((16,), 25, jnp.int32)
    c18 = jnp.full((16,), 18, jnp.int32)
    m127 = jnp.full((16,), 127, jnp.int32)

    def _one(t, gate=None):
        key = _keybits(t)
        r = lax.shift_right_logical(key, c25)
        c = lax.shift_right_logical(key, c18) & m127
        plsc.addupdate_scatter(hist_v, [r, c], ones16, mask=gate)

    @plsc.parallel_loop(0, VREGS_PER_TILE, step=8)
    def _accum(i):
        for u in range(8):
            _one(yt_v[pl.ds((i + u) * 16, 16)])

    pltpu.sync_copy(yt_hbm.at[pl.ds(TAIL_START, TAIL)], tt_v)
    is31 = jnp.full((16,), w, jnp.int32) == jnp.full((16,), 31, jnp.int32)

    @plsc.parallel_loop(0, TAIL_VREGS, step=4)
    def _tail(i):
        for u in range(4):
            _one(tt_v[pl.ds((i + u) * 16, 16)], gate=is31)

    pltpu.sync_copy(hist_v, cnt_hbm.at[w])


def _key_to_float(ku):
    bits = jnp.where(ku < 0, ku ^ jnp.int32(INT_MIN), ~ku)
    return lax.bitcast_convert_type(bits, jnp.float32)


NROW = 64
NCOL = 15625
NSTEP = 8
ROWS_PER_STEP = NROW // NSTEP


def _tc_final_body(cnt_ref, yt_ref, yp_ref, out_ref, sm):
    i = pl.program_id(0)

    @pl.when(i == 0)
    def _scan():
        h2 = jnp.sum(cnt_ref[...], axis=0).astype(jnp.float32)
        iota_r = lax.broadcasted_iota(jnp.int32, (128, 128), 0)
        iota_c = lax.broadcasted_iota(jnp.int32, (128, 128), 1)
        suf_in_row = jnp.dot(h2, (iota_r >= iota_c).astype(jnp.float32),
                             preferred_element_type=jnp.float32)
        row_suffix = jnp.dot((iota_c > iota_r).astype(jnp.float32),
                             suf_in_row[:, 0:1],
                             preferred_element_type=jnp.float32)
        c_ge = row_suffix + suf_in_row
        kf = jnp.float32(K)
        h_bin = jnp.sum((c_ge >= kf).astype(jnp.int32)) - 1
        at_h = ((iota_r * 128 + iota_c) == h_bin).astype(jnp.float32)
        c_h = jnp.sum(h2 * at_h)
        c_gt = jnp.sum(c_ge * at_h) - c_h
        sm[0] = _key_to_float(lax.shift_left(h_bin, 18))
        sm[1] = _key_to_float(lax.shift_left(h_bin + 1, 18))
        sm[2] = c_h
        sm[3] = c_gt
        sm[4] = 0.0
        sm[5] = 0.0
        sm[6] = 0.0

    f_lo = sm[0]
    f_hi = sm[1]
    t = yt_ref[...]
    p = yp_ref[...]
    d = t - p
    err = d * d
    sm[4] += jnp.sum(err)
    sm[5] += jnp.sum(jnp.where(t >= f_hi, err, 0.0))
    sm[6] += jnp.sum(jnp.where(t >= f_lo, err, 0.0))

    @pl.when(i == NSTEP - 1)
    def _finish():
        s_all, s_gt, s_ge = sm[4], sm[5], sm[6]
        frac = (jnp.float32(K) - sm[3]) / jnp.maximum(sm[2], 1.0)
        s_top = s_gt + frac * (s_ge - s_gt)
        loss = ((s_all + jnp.float32(ALPHA - 1.0) * s_top)
                / jnp.float32(N_REAL))
        out_ref[...] = jnp.full((1, 1), loss, jnp.float32)


_tc_final = pl.pallas_call(
    _tc_final_body,
    grid=(NSTEP,),
    in_specs=[
        pl.BlockSpec((NUM_WORKERS, 128, 128), lambda i: (0, 0, 0)),
        pl.BlockSpec((ROWS_PER_STEP, NCOL), lambda i: (i, 0)),
        pl.BlockSpec((ROWS_PER_STEP, NCOL), lambda i: (i, 0)),
    ],
    out_specs=pl.BlockSpec((1, 1), lambda i: (0, 0)),
    out_shape=jax.ShapeDtypeStruct((1, 1), jnp.float32),
    scratch_shapes=[pltpu.SMEM((8,), jnp.float32)],
)


def kernel(y_pred, y_true):
    cnt = _sc_hist(y_true)
    loss = _tc_final(cnt, y_true.reshape(NROW, NCOL), y_pred.reshape(NROW, NCOL))
    return jnp.reshape(loss, ())

# --- scband reference (transcript-rebuilt; emitter-appended) ---
"""Pipeline reference for scband-avg-return-top10-loss-14723147891026 (READ-ONLY COPY).

The authoritative reference and input builder live on the scoring server;
editing this copy changes nothing except your own understanding.
"""

import jax, jax.numpy as jnp
import numpy as np

ALPHA = 5.0

def setup_inputs(seed: int = 0) -> dict:
    key = jax.random.key(seed)
    k1, k2 = jax.random.split(key)
    N = 1000000
    y_pred = jax.random.normal(k1, (N,), dtype=jnp.float32)
    y_true = jax.random.normal(k2, (N,), dtype=jnp.float32)
    return {"y_pred": y_pred, "y_true": y_true}

def reference(y_pred, y_true):
    errors = jnp.square(y_true - y_pred)
    top_10_percent = int(y_pred.shape[0] * 0.1)
    _, indices = jax.lax.top_k(y_true, top_10_percent)
    penalty_factor = jnp.ones(y_pred.shape[0], dtype=jnp.float32)
    penalty_factor = penalty_factor.at[indices].set(ALPHA)
    weighted_errors = penalty_factor * errors
    loss = jnp.mean(jnp.abs(weighted_errors))
    return loss

if __name__ == "__main__":
    import jax
    _d = setup_inputs()
    print(jax.jit(kernel)(*tuple(_d.values())))

</pallas_src>

<mosaic_0001>
#map = affine_map<(d0, d1) -> (0)>
#map1 = affine_map<(d0, d1) -> (0, 0, 0)>
module attributes {stable_mosaic.version = 14 : i64} {
  func.func @_sc_hist(%arg0: i32, %arg1: i32, %arg2: memref<1000000xf32, #tpu.memory_space<hbm>>, %arg3: memref<32x128x128xi32, #tpu.memory_space<hbm>>, %arg4: memref<31232xf32, #tpu.memory_space<vmem>>, %arg5: memref<576xf32, #tpu.memory_space<vmem>>, %arg6: memref<128x128xi32, #tpu.memory_space<vmem>>) attributes {dimension_semantics = [#tpu.dimension_semantics<core_parallel>, #tpu.dimension_semantics<subcore_parallel>], iteration_bounds = array<i64: 2, 16>, scalar_prefetch = 0 : i64, scratch_operands = 3 : i64, tpu.core_type = #tpu.core_type<sc_vector_subcore>, window_params = [{transform_indices = #map}, {transform_indices = #map1}]} {
    %mul3A = arith.constant 2 : i32
    %mul3A_0 = arith.muli %arg1, %mul3A : i32
    %add3A = arith.addi %mul3A_0, %arg0 : i32
    %broadcast_in_dim3A = arith.constant 0 : i32
    %broadcast_in_dim3A_1 = vector.broadcast %broadcast_in_dim3A : i32 to vector<16xi32>
    %parallel_loop3A = arith.constant 0 : i32
    %parallel_loop3A_2 = arith.constant 128 : i32
    %parallel_loop3A_3 = arith.constant 8 : i32
    scf.for %parallel_loop3A_23 = %parallel_loop3A to %parallel_loop3A_2 step %parallel_loop3A_3  : i32 {
      %parallel_loop3A_24 = arith.constant 0 : i32
      %parallel_loop3A_25 = arith.addi %parallel_loop3A_23, %parallel_loop3A_24 : i32
      %parallel_loop3A_26 = arith.index_cast %parallel_loop3A_25 : i32 to index
      %parallel_loop3A_27 = arith.constant 0 : index
      %parallel_loop3A_28 = tpu.vector_load %arg6[%parallel_loop3A_26, %parallel_loop3A_27] {strides = array<i32>} : memref<128x128xi32, #tpu.memory_space<vmem>>, vector<16xi32>,
      tpu.vector_store %arg6[%parallel_loop3A_26, %parallel_loop3A_27], %broadcast_in_dim3A_1 {strides = array<i32>} : memref<128x128xi32, #tpu.memory_space<vmem>>, vector<16xi32>,
      %parallel_loop3A_29 = arith.constant 0 : i32
      %parallel_loop3A_30 = arith.addi %parallel_loop3A_23, %parallel_loop3A_29 : i32
      %parallel_loop3A_31 = arith.index_cast %parallel_loop3A_30 : i32 to index
      %parallel_loop3A_32 = arith.constant 16 : index
      %parallel_loop3A_33 = tpu.vector_load %arg6[%parallel_loop3A_31, %parallel_loop3A_32] {strides = array<i32>} : memref<128x128xi32, #tpu.memory_space<vmem>>, vector<16xi32>,
      tpu.vector_store %arg6[%parallel_loop3A_31, %parallel_loop3A_32], %broadcast_in_dim3A_1 {strides = array<i32>} : memref<128x128xi32, #tpu.memory_space<vmem>>, vector<16xi32>,
      %parallel_loop3A_34 = arith.constant 0 : i32
      %parallel_loop3A_35 = arith.addi %parallel_loop3A_23, %parallel_loop3A_34 : i32
      %parallel_loop3A_36 = arith.index_cast %parallel_loop3A_35 : i32 to index
      %parallel_loop3A_37 = arith.constant 32 : index
      %parallel_loop3A_38 = tpu.vector_load %arg6[%parallel_loop3A_36, %parallel_loop3A_37] {strides = array<i32>} : memref<128x128xi32, #tpu.memory_space<vmem>>, vector<16xi32>,
      tpu.vector_store %arg6[%parallel_loop3A_36, %parallel_loop3A_37], %broadcast_in_dim3A_1 {strides = array<i32>} : memref<128x128xi32, #tpu.memory_space<vmem>>, vector<16xi32>,
      %parallel_loop3A_39 = arith.constant 0 : i32
      %parallel_loop3A_40 = arith.addi %parallel_loop3A_23, %parallel_loop3A_39 : i32
      %parallel_loop3A_41 = arith.index_cast %parallel_loop3A_40 : i32 to index
      %parallel_loop3A_42 = arith.constant 48 : index
      %parallel_loop3A_43 = tpu.vector_load %arg6[%parallel_loop3A_41, %parallel_loop3A_42] {strides = array<i32>} : memref<128x128xi32, #tpu.memory_space<vmem>>, vector<16xi32>,
      tpu.vector_store %arg6[%parallel_loop3A_41, %parallel_loop3A_42], %broadcast_in_dim3A_1 {strides = array<i32>} : memref<128x128xi32, #tpu.memory_space<vmem>>, vector<16xi32>,
      %parallel_loop3A_44 = arith.constant 0 : i32
      %parallel_loop3A_45 = arith.addi %parallel_loop3A_23, %parallel_loop3A_44 : i32
      %parallel_loop3A_46 = arith.index_cast %parallel_loop3A_45 : i32 to index
      %parallel_loop3A_47 = arith.constant 64 : index
      %parallel_loop3A_48 = tpu.vector_load %arg6[%parallel_loop3A_46, %parallel_loop3A_47] {strides = array<i32>} : memref<128x128xi32, #tpu.memory_space<vmem>>, vector<16xi32>,
      tpu.vector_store %arg6[%parallel_loop3A_46, %parallel_loop3A_47], %broadcast_in_dim3A_1 {strides = array<i32>} : memref<128x128xi32, #tpu.memory_space<vmem>>, vector<16xi32>,
      %parallel_loop3A_49 = arith.constant 0 : i32
      %parallel_loop3A_50 = arith.addi %parallel_loop3A_23, %parallel_loop3A_49 : i32
      %parallel_loop3A_51 = arith.index_cast %parallel_loop3A_50 : i32 to index
      %parallel_loop3A_52 = arith.constant 80 : index
      %parallel_loop3A_53 = tpu.vector_load %arg6[%parallel_loop3A_51, %parallel_loop3A_52] {strides = array<i32>} : memref<128x128xi32, #tpu.memory_space<vmem>>, vector<16xi32>,
      tpu.vector_store %arg6[%parallel_loop3A_51, %parallel_loop3A_52], %broadcast_in_dim3A_1 {strides = array<i32>} : memref<128x128xi32, #tpu.memory_space<vmem>>, vector<16xi32>,
      %parallel_loop3A_54 = arith.constant 0 : i32
      %parallel_loop3A_55 = arith.addi %parallel_loop3A_23, %parallel_loop3A_54 : i32
      %parallel_loop3A_56 = arith.index_cast %parallel_loop3A_55 : i32 to index
      %parallel_loop3A_57 = arith.constant 96 : index
      %parallel_loop3A_58 = tpu.vector_load %arg6[%parallel_loop3A_56, %parallel_loop3A_57] {strides = array<i32>} : memref<128x128xi32, #tpu.memory_space<vmem>>, vector<16xi32>,
      tpu.vector_store %arg6[%parallel_loop3A_56, %parallel_loop3A_57], %broadcast_in_dim3A_1 {strides = array<i32>} : memref<128x128xi32, #tpu.memory_space<vmem>>, vector<16xi32>,
      %parallel_loop3A_59 = arith.constant 0 : i32
      %parallel_loop3A_60 = arith.addi %parallel_loop3A_23, %parallel_loop3A_59 : i32
      %parallel_loop3A_61 = arith.index_cast %parallel_loop3A_60 : i32 to index
      %parallel_loop3A_62 = arith.constant 112 : index
      %parallel_loop3A_63 = tpu.vector_load %arg6[%parallel_loop3A_61, %parallel_loop3A_62] {strides = array<i32>} : memref<128x128xi32, #tpu.memory_space<vmem>>, vector<16xi32>,
      tpu.vector_store %arg6[%parallel_loop3A_61, %parallel_loop3A_62], %broadcast_in_dim3A_1 {strides = array<i32>} : memref<128x128xi32, #tpu.memory_space<vmem>>, vector<16xi32>,
      %parallel_loop3A_64 = arith.constant 1 : i32
      %parallel_loop3A_65 = arith.addi %parallel_loop3A_23, %parallel_loop3A_64 : i32
      %parallel_loop3A_66 = arith.index_cast %parallel_loop3A_65 : i32 to index
      %parallel_loop3A_67 = arith.constant 0 : index
      %parallel_loop3A_68 = tpu.vector_load %arg6[%parallel_loop3A_66, %parallel_loop3A_67] {strides = array<i32>} : memref<128x128xi32, #tpu.memory_space<vmem>>, vector<16xi32>,
      tpu.vector_store %arg6[%parallel_loop3A_66, %parallel_loop3A_67], %broadcast_in_dim3A_1 {strides = array<i32>} : memref<128x128xi32, #tpu.memory_space<vmem>>, vector<16xi32>,
      %parallel_loop3A_69 = arith.constant 1 : i32
      %parallel_loop3A_70 = arith.addi %parallel_loop3A_23, %parallel_loop3A_69 : i32
      %parallel_loop3A_71 = arith.index_cast %parallel_loop3A_70 : i32 to index
      %parallel_loop3A_72 = arith.constant 16 : index
      %parallel_loop3A_73 = tpu.vector_load %arg6[%parallel_loop3A_71, %parallel_loop3A_72] {strides = array<i32>} : memref<128x128xi32, #tpu.memory_space<vmem>>, vector<16xi32>,
      tpu.vector_store %arg6[%parallel_loop3A_71, %parallel_loop3A_72], %broadcast_in_dim3A_1 {strides = array<i32>} : memref<128x128xi32, #tpu.memory_space<vmem>>, vector<16xi32>,
      %parallel_loop3A_74 = arith.constant 1 : i32
      %parallel_loop3A_75 = arith.addi %parallel_loop3A_23, %parallel_loop3A_74 : i32
      %parallel_loop3A_76 = arith.index_cast %parallel_loop3A_75 : i32 to index
      %parallel_loop3A_77 = arith.constant 32 : index
      %parallel_loop3A_78 = tpu.vector_load %arg6[%parallel_loop3A_76, %parallel_loop3A_77] {strides = array<i32>} : memref<128x128xi32, #tpu.memory_space<vmem>>, vector<16xi32>,
      tpu.vector_store %arg6[%parallel_loop3A_76, %parallel_loop3A_77], %broadcast_in_dim3A_1 {strides = array<i32>} : memref<128x128xi32, #tpu.memory_space<vmem>>, vector<16xi32>,
      %parallel_loop3A_79 = arith.constant 1 : i32
      %parallel_loop3A_80 = arith.addi %parallel_loop3A_23, %parallel_loop3A_79 : i32
      %parallel_loop3A_81 = arith.index_cast %parallel_loop3A_80 : i32 to index
      %parallel_loop3A_82 = arith.constant 48 : index
      %parallel_loop3A_83 = tpu.vector_load %arg6[%parallel_loop3A_81, %parallel_loop3A_82] {strides = array<i32>} : memref<128x128xi32, #tpu.memory_space<vmem>>, vector<16xi32>,
      tpu.vector_store %arg6[%parallel_loop3A_81, %parallel_loop3A_82], %broadcast_in_dim3A_1 {strides = array<i32>} : memref<128x128xi32, #tpu.memory_space<vmem>>, vector<16xi32>,
      %parallel_loop3A_84 = arith.constant 1 : i32
      %parallel_loop3A_85 = arith.addi %parallel_loop3A_23, %parallel_loop3A_84 : i32
      %parallel_loop3A_86 = arith.index_cast %parallel_loop3A_85 : i32 to index
      %parallel_loop3A_87 = arith.constant 64 : index
      %parallel_loop3A_88 = tpu.vector_load %arg6[%parallel_loop3A_86, %parallel_loop3A_87] {strides = array<i32>} : memref<128x128xi32, #tpu.memory_space<vmem>>, vector<16xi32>,
      tpu.vector_store %arg6[%parallel_loop3A_86, %parallel_loop3A_87], %broadcast_in_dim3A_1 {strides = array<i32>} : memref<128x128xi32, #tpu.memory_space<vmem>>, vector<16xi32>,
      %parallel_loop3A_89 = arith.constant 1 : i32
      %parallel_loop3A_90 = arith.addi %parallel_loop3A_23, %parallel_loop3A_89 : i32
      %parallel_loop3A_91 = arith.index_cast %parallel_loop3A_90 : i32 to index
      %parallel_loop3A_92 = arith.constant 80 : index
      %parallel_loop3A_93 = tpu.vector_load %arg6[%parallel_loop3A_91, %parallel_loop3A_92] {strides = array<i32>} : memref<128x128xi32, #tpu.memory_space<vmem>>, vector<16xi32>,
      tpu.vector_store %arg6[%parallel_loop3A_91, %parallel_loop3A_92], %broadcast_in_dim3A_1 {strides = array<i32>} : memref<128x128xi32, #tpu.memory_space<vmem>>, vector<16xi32>,
      %parallel_loop3A_94 = arith.constant 1 : i32
      %parallel_loop3A_95 = arith.addi %parallel_loop3A_23, %parallel_loop3A_94 : i32
      %parallel_loop3A_96 = arith.index_cast %parallel_loop3A_95 : i32 to index
      %parallel_loop3A_97 = arith.constant 96 : index
      %parallel_loop3A_98 = tpu.vector_load %arg6[%parallel_loop3A_96, %parallel_loop3A_97] {strides = array<i32>} : memref<128x128xi32, #tpu.memory_space<vmem>>, vector<16xi32>,
      tpu.vector_store %arg6[%parallel_loop3A_96, %parallel_loop3A_97], %broadcast_in_dim3A_1 {strides = array<i32>} : memref<128x128xi32, #tpu.memory_space<vmem>>, vector<16xi32>,
      %parallel_loop3A_99 = arith.constant 1 : i32
      %parallel_loop3A_100 = arith.addi %parallel_loop3A_23, %parallel_loop3A_99 : i32
      %parallel_loop3A_101 = arith.index_cast %parallel_loop3A_100 : i32 to index
      %parallel_loop3A_102 = arith.constant 112 : index
      %parallel_loop3A_103 = tpu.vector_load %arg6[%parallel_loop3A_101, %parallel_loop3A_102] {strides = array<i32>} : memref<128x128xi32, #tpu.memory_space<vmem>>, vector<16xi32>,
      tpu.vector_store %arg6[%parallel_loop3A_101, %parallel_loop3A_102], %broadcast_in_dim3A_1 {strides = array<i32>} : memref<128x128xi32, #tpu.memory_space<vmem>>, vector<16xi32>,
      %parallel_loop3A_104 = arith.constant 2 : i32
      %parallel_loop3A_105 = arith.addi %parallel_loop3A_23, %parallel_loop3A_104 : i32
      %parallel_loop3A_106 = arith.index_cast %parallel_loop3A_105 : i32 to index
      %parallel_loop3A_107 = arith.constant 0 : index
      %parallel_loop3A_108 = tpu.vector_load %arg6[%parallel_loop3A_106, %parallel_loop3A_107] {strides = array<i32>} : memref<128x128xi32, #tpu.memory_space<vmem>>, vector<16xi32>,
      tpu.vector_store %arg6[%parallel_loop3A_106, %parallel_loop3A_107], %broadcast_in_dim3A_1 {strides = array<i32>} : memref<128x128xi32, #tpu.memory_space<vmem>>, vector<16xi32>,
      %parallel_loop3A_109 = arith.constant 2 : i32
      %parallel_loop3A_110 = arith.addi %parallel_loop3A_23, %parallel_loop3A_109 : i32
      %parallel_loop3A_111 = arith.index_cast %parallel_loop3A_110 : i32 to index
      %parallel_loop3A_112 = arith.constant 16 : index
      %parallel_loop3A_113 = tpu.vector_load %arg6[%parallel_loop3A_111, %parallel_loop3A_112] {strides = array<i32>} : memref<128x128xi32, #tpu.memory_space<vmem>>, vector<16xi32>,
      tpu.vector_store %arg6[%parallel_loop3A_111, %parallel_loop3A_112], %broadcast_in_dim3A_1 {strides = array<i32>} : memref<128x128xi32, #tpu.memory_space<vmem>>, vector<16xi32>,
      %parallel_loop3A_114 = arith.constant 2 : i32
      %parallel_loop3A_115 = arith.addi %parallel_loop3A_23, %parallel_loop3A_114 : i32
      %parallel_loop3A_116 = arith.index_cast %parallel_loop3A_115 : i32 to index
      %parallel_loop3A_117 = arith.constant 32 : index
      %parallel_loop3A_118 = tpu.vector_load %arg6[%parallel_loop3A_116, %parallel_loop3A_117] {strides = array<i32>} : memref<128x128xi32, #tpu.memory_space<vmem>>, vector<16xi32>,
      tpu.vector_store %arg6[%parallel_loop3A_116, %parallel_loop3A_117], %broadcast_in_dim3A_1 {strides = array<i32>} : memref<128x128xi32, #tpu.memory_space<vmem>>, vector<16xi32>,
      %parallel_loop3A_119 = arith.constant 2 : i32
      %parallel_loop3A_120 = arith.addi %parallel_loop3A_23, %parallel_loop3A_119 : i32
      %parallel_loop3A_121 = arith.index_cast %parallel_loop3A_120 : i32 to index
      %parallel_loop3A_122 = arith.constant 48 : index
      %parallel_loop3A_123 = tpu.vector_load %arg6[%parallel_loop3A_121, %parallel_loop3A_122] {strides = array<i32>} : memref<128x128xi32, #tpu.memory_space<vmem>>, vector<16xi32>,
      tpu.vector_store %arg6[%parallel_loop3A_121, %parallel_loop3A_122], %broadcast_in_dim3A_1 {strides = array<i32>} : memref<128x128xi32, #tpu.memory_space<vmem>>, vector<16xi32>,
      %parallel_loop3A_124 = arith.constant 2 : i32
      %parallel_loop3A_125 = arith.addi %parallel_loop3A_23, %parallel_loop3A_124 : i32
      %parallel_loop3A_126 = arith.index_cast %parallel_loop3A_125 : i32 to index
      %parallel_loop3A_127 = arith.constant 64 : index
      %parallel_loop3A_128 = tpu.vector_load %arg6[%parallel_loop3A_126, %parallel_loop3A_127] {strides = array<i32>} : memref<128x128xi32, #tpu.memory_space<vmem>>, vector<16xi32>,
      tpu.vector_store %arg6[%parallel_loop3A_126, %parallel_loop3A_127], %broadcast_in_dim3A_1 {strides = array<i32>} : memref<128x128xi32, #tpu.memory_space<vmem>>, vector<16xi32>,
      %parallel_loop3A_129 = arith.constant 2 : i32
      %parallel_loop3A_130 = arith.addi %parallel_loop3A_23, %parallel_loop3A_129 : i32
      %parallel_loop3A_131 = arith.index_cast %parallel_loop3A_130 : i32 to index
      %parallel_loop3A_132 = arith.constant 80 : index
      %parallel_loop3A_133 = tpu.vector_load %arg6[%parallel_loop3A_131, %parallel_loop3A_132] {strides = array<i32>} : memref<128x128xi32, #tpu.memory_space<vmem>>, vector<16xi32>,
      tpu.vector_store %arg6[%parallel_loop3A_131, %parallel_loop3A_132], %broadcast_in_dim3A_1 {strides = array<i32>} : memref<128x128xi32, #tpu.memory_space<vmem>>, vector<16xi32>,
      %parallel_loop3A_134 = arith.constant 2 : i32
      %parallel_loop3A_135 = arith.addi %parallel_loop3A_23, %parallel_loop3A_134 : i32
      %parallel_loop3A_136 = arith.index_cast %parallel_loop3A_135 : i32 to index
      %parallel_loop3A_137 = arith.constant 96 : index
      %parallel_loop3A_138 = tpu.vector_load %arg6[%parallel_loop3A_136, %parallel_loop3A_137] {strides = array<i32>} : memref<128x128xi32, #tpu.memory_space<vmem>>, vector<16xi32>,
      tpu.vector_store %arg6[%parallel_loop3A_136, %parallel_loop3A_137], %broadcast_in_dim3A_1 {strides = array<i32>} : memref<128x128xi32, #tpu.memory_space<vmem>>, vector<16xi32>,
      %parallel_loop3A_139 = arith.constant 2 : i32
      %parallel_loop3A_140 = arith.addi %parallel_loop3A_23, %parallel_loop3A_139 : i32
      %parallel_loop3A_141 = arith.index_cast %parallel_loop3A_140 : i32 to index
      %parallel_loop3A_142 = arith.constant 112 : index
      %parallel_loop3A_143 = tpu.vector_load %arg6[%parallel_loop3A_141, %parallel_loop3A_142] {strides = array<i32>} : memref<128x128xi32, #tpu.memory_space<vmem>>, vector<16xi32>,
      tpu.vector_store %arg6[%parallel_loop3A_141, %parallel_loop3A_142], %broadcast_in_dim3A_1 {strides = array<i32>} : memref<128x128xi32, #tpu.memory_space<vmem>>, vector<16xi32>,
      %parallel_loop3A_144 = arith.constant 3 : i32
      %parallel_loop3A_145 = arith.addi %parallel_loop3A_23, %parallel_loop3A_144 : i32
      %parallel_loop3A_146 = arith.index_cast %parallel_loop3A_145 : i32 to index
      %parallel_loop3A_147 = arith.constant 0 : index
      %parallel_loop3A_148 = tpu.vector_load %arg6[%parallel_loop3A_146, %parallel_loop3A_147] {strides = array<i32>} : memref<128x128xi32, #tpu.memory_space<vmem>>, vector<16xi32>,
      tpu.vector_store %arg6[%parallel_loop3A_146, %parallel_loop3A_147], %broadcast_in_dim3A_1 {strides = array<i32>} : memref<128x128xi32, #tpu.memory_space<vmem>>, vector<16xi32>,
      %parallel_loop3A_149 = arith.constant 3 : i32
      %parallel_loop3A_150 = arith.addi %parallel_loop3A_23, %parallel_loop3A_149 : i32
      %parallel_loop3A_151 = arith.index_cast %parallel_loop3A_150 : i32 to index
      %parallel_loop3A_152 = arith.constant 16 : index
      %parallel_loop3A_153 = tpu.vector_load %arg6[%parallel_loop3A_151, %parallel_loop3A_152] {strides = array<i32>} : memref<128x128xi32, #tpu.memory_space<vmem>>, vector<16xi32>,
      tpu.vector_store %arg6[%parallel_loop3A_151, %parallel_loop3A_152], %broadcast_in_dim3A_1 {strides = array<i32>} : memref<128x128xi32, #tpu.memory_space<vmem>>, vector<16xi32>,
      %parallel_loop3A_154 = arith.constant 3 : i32
      %parallel_loop3A_155 = arith.addi %parallel_loop3A_23, %parallel_loop3A_154 : i32
      %parallel_loop3A_156 = arith.index_cast %parallel_loop3A_155 : i32 to index
      %parallel_loop3A_157 = arith.constant 32 : index
      %parallel_loop3A_158 = tpu.vector_load %arg6[%parallel_loop3A_156, %parallel_loop3A_157] {strides = array<i32>} : memref<128x128xi32, #tpu.memory_space<vmem>>, vector<16xi32>,
      tpu.vector_store %arg6[%parallel_loop3A_156, %parallel_loop3A_157], %broadcast_in_dim3A_1 {strides = array<i32>} : memref<128x128xi32, #tpu.memory_space<vmem>>, vector<16xi32>,
      %parallel_loop3A_159 = arith.constant 3 : i32
      %parallel_loop3A_160 = arith.addi %parallel_loop3A_23, %parallel_loop3A_159 : i32
      %parallel_loop3A_161 = arith.index_cast %parallel_loop3A_160 : i32 to index
      %parallel_loop3A_162 = arith.constant 48 : index
      %parallel_loop3A_163 = tpu.vector_load %arg6[%parallel_loop3A_161, %parallel_loop3A_162] {strides = array<i32>} : memref<128x128xi32, #tpu.memory_space<vmem>>, vector<16xi32>,
      tpu.vector_store %arg6[%parallel_loop3A_161, %parallel_loop3A_162], %broadcast_in_dim3A_1 {strides = array<i32>} : memref<128x128xi32, #tpu.memory_space<vmem>>, vector<16xi32>,
      %parallel_loop3A_164 = arith.constant 3 : i32
      %parallel_loop3A_165 = arith.addi %parallel_loop3A_23, %parallel_loop3A_164 : i32
      %parallel_loop3A_166 = arith.index_cast %parallel_loop3A_165 : i32 to index
      %parallel_loop3A_167 = arith.constant 64 : index
      %parallel_loop3A_168 = tpu.vector_load %arg6[%parallel_loop3A_166, %parallel_loop3A_167] {strides = array<i32>} : memref<128x128xi32, #tpu.memory_space<vmem>>, vector<16xi32>,
      tpu.vector_store %arg6[%parallel_loop3A_166, %parallel_loop3A_167], %broadcast_in_dim3A_1 {strides = array<i32>} : memref<128x128xi32, #tpu.memory_space<vmem>>, vector<16xi32>,
      %parallel_loop3A_169 = arith.constant 3 : i32
      %parallel_loop3A_170 = arith.addi %parallel_loop3A_23, %parallel_loop3A_169 : i32
      %parallel_loop3A_171 = arith.index_cast %parallel_loop3A_170 : i32 to index
      %parallel_loop3A_172 = arith.constant 80 : index
      %parallel_loop3A_173 = tpu.vector_load %arg6[%parallel_loop3A_171, %parallel_loop3A_172] {strides = array<i32>} : memref<128x128xi32, #tpu.memory_space<vmem>>, vector<16xi32>,
      tpu.vector_store %arg6[%parallel_loop3A_171, %parallel_loop3A_172], %broadcast_in_dim3A_1 {strides = array<i32>} : memref<128x128xi32, #tpu.memory_space<vmem>>, vector<16xi32>,
      %parallel_loop3A_174 = arith.constant 3 : i32
      %parallel_loop3A_175 = arith.addi %parallel_loop3A_23, %parallel_loop3A_174 : i32
      %parallel_loop3A_176 = arith.index_cast %parallel_loop3A_175 : i32 to index
      %parallel_loop3A_177 = arith.constant 96 : index
      %parallel_loop3A_178 = tpu.vector_load %arg6[%parallel_loop3A_176, %parallel_loop3A_177] {strides = array<i32>} : memref<128x128xi32, #tpu.memory_space<vmem>>, vector<16xi32>,
      tpu.vector_store %arg6[%parallel_loop3A_176, %parallel_loop3A_177], %broadcast_in_dim3A_1 {strides = array<i32>} : memref<128x128xi32, #tpu.memory_space<vmem>>, vector<16xi32>,
      %parallel_loop3A_179 = arith.constant 3 : i32
      %parallel_loop3A_180 = arith.addi %parallel_loop3A_23, %parallel_loop3A_179 : i32
      %parallel_loop3A_181 = arith.index_cast %parallel_loop3A_180 : i32 to index
      %parallel_loop3A_182 = arith.constant 112 : index
      %parallel_loop3A_183 = tpu.vector_load %arg6[%parallel_loop3A_181, %parallel_loop3A_182] {strides = array<i32>} : memref<128x128xi32, #tpu.memory_space<vmem>>, vector<16xi32>,
      tpu.vector_store %arg6[%parallel_loop3A_181, %parallel_loop3A_182], %broadcast_in_dim3A_1 {strides = array<i32>} : memref<128x128xi32, #tpu.memory_space<vmem>>, vector<16xi32>,
      %parallel_loop3A_184 = arith.constant 4 : i32
      %parallel_loop3A_185 = arith.addi %parallel_loop3A_23, %parallel_loop3A_184 : i32
      %parallel_loop3A_186 = arith.index_cast %parallel_loop3A_185 : i32 to index
      %parallel_loop3A_187 = arith.constant 0 : index
      %parallel_loop3A_188 = tpu.vector_load %arg6[%parallel_loop3A_186, %parallel_loop3A_187] {strides = array<i32>} : memref<128x128xi32, #tpu.memory_space<vmem>>, vector<16xi32>,
      tpu.vector_store %arg6[%parallel_loop3A_186, %parallel_loop3A_187], %broadcast_in_dim3A_1 {strides = array<i32>} : memref<128x128xi32, #tpu.memory_space<vmem>>, vector<16xi32>,
      %parallel_loop3A_189 = arith.constant 4 : i32
      %parallel_loop3A_190 = arith.addi %parallel_loop3A_23, %parallel_loop3A_189 : i32
      %parallel_loop3A_191 = arith.index_cast %parallel_loop3A_190 : i32 to index
      %parallel_loop3A_192 = arith.constant 16 : index
      %parallel_loop3A_193 = tpu.vector_load %arg6[%parallel_loop3A_191, %parallel_loop3A_192] {strides = array<i32>} : memref<128x128xi32, #tpu.memory_space<vmem>>, vector<16xi32>,
      tpu.vector_store %arg6[%parallel_loop3A_191, %parallel_loop3A_192], %broadcast_in_dim3A_1 {strides = array<i32>} : memref<128x128xi32, #tpu.memory_space<vmem>>, vector<16xi32>,
      %parallel_loop3A_194 = arith.constant 4 : i32
      %parallel_loop3A_195 = arith.addi %parallel_loop3A_23, %parallel_loop3A_194 : i32
      %parallel_loop3A_196 = arith.index_cast %parallel_loop3A_195 : i32 to index
      %parallel_loop3A_197 = arith.constant 32 : index
      %parallel_loop3A_198 = tpu.vector_load %arg6[%parallel_loop3A_196, %parallel_loop3A_197] {strides = array<i32>} : memref<128x128xi32, #tpu.memory_space<vmem>>, vector<16xi32>,
      tpu.vector_store %arg6[%parallel_loop3A_196, %parallel_loop3A_197], %broadcast_in_dim3A_1 {strides = array<i32>} : memref<128x128xi32, #tpu.memory_space<vmem>>, vector<16xi32>,
      %parallel_loop3A_199 = arith.constant 4 : i32
      %parallel_loop3A_200 = arith.addi %parallel_loop3A_23, %parallel_loop3A_199 : i32
      %parallel_loop3A_201 = arith.index_cast %parallel_loop3A_200 : i32 to index
      %parallel_loop3A_202 = arith.constant 48 : index
      %parallel_loop3A_203 = tpu.vector_load %arg6[%parallel_loop3A_201, %parallel_loop3A_202] {strides = array<i32>} : memref<128x128xi32, #tpu.memory_space<vmem>>, vector<16xi32>,
      tpu.vector_store %arg6[%parallel_loop3A_201, %parallel_loop3A_202], %broadcast_in_dim3A_1 {strides = array<i32>} : memref<128x128xi32, #tpu.memory_space<vmem>>, vector<16xi32>,
      %parallel_loop3A_204 = arith.constant 4 : i32
      %parallel_loop3A_205 = arith.addi %parallel_loop3A_23, %parallel_loop3A_204 : i32
      %parallel_loop3A_206 = arith.index_cast %parallel_loop3A_205 : i32 to index
      %parallel_loop3A_207 = arith.constant 64 : index
      %parallel_loop3A_208 = tpu.vector_load %arg6[%parallel_loop3A_206, %parallel_loop3A_207] {strides = array<i32>} : memref<128x128xi32, #tpu.memory_space<vmem>>, vector<16xi32>,
      tpu.vector_store %arg6[%parallel_loop3A_206, %parallel_loop3A_207], %broadcast_in_dim3A_1 {strides = array<i32>} : memref<128x128xi32, #tpu.memory_space<vmem>>, vector<16xi32>,
      %parallel_loop3A_209 = arith.constant 4 : i32
      %parallel_loop3A_210 = arith.addi %parallel_loop3A_23, %parallel_loop3A_209 : i32
      %parallel_loop3A_211 = arith.index_cast %parallel_loop3A_210 : i32 to index
      %parallel_loop3A_212 = arith.constant 80 : index
      %parallel_loop3A_213 = tpu.vector_load %arg6[%parallel_loop3A_211, %parallel_loop3A_212] {strides = array<i32>} : memref<128x128xi32, #tpu.memory_space<vmem>>, vector<16xi32>,
      tpu.vector_store %arg6[%parallel_loop3A_211, %parallel_loop3A_212], %broadcast_in_dim3A_1 {strides = array<i32>} : memref<128x128xi32, #tpu.memory_space<vmem>>, vector<16xi32>,
      %parallel_loop3A_214 = arith.constant 4 : i32
      %parallel_loop3A_215 = arith.addi %parallel_loop3A_23, %parallel_loop3A_214 : i32
      %parallel_loop3A_216 = arith.index_cast %parallel_loop3A_215 : i32 to index
      %parallel_loop3A_217 = arith.constant 96 : index
      %parallel_loop3A_218 = tpu.vector_load %arg6[%parallel_loop3A_216, %parallel_loop3A_217] {strides = array<i32>} : memref<128x128xi32, #tpu.memory_space<vmem>>, vector<16xi32>,
      tpu.vector_store %arg6[%parallel_loop3A_216, %parallel_loop3A_217], %broadcast_in_dim3A_1 {strides = array<i32>} : memref<128x128xi32, #tpu.memory_space<vmem>>, vector<16xi32>,
      %parallel_loop3A_219 = arith.constant 4 : i32
      %parallel_loop3A_220 = arith.addi %parallel_loop3A_23, %parallel_loop3A_219 : i32
      %parallel_loop3A_221 = arith.index_cast %parallel_loop3A_220 : i32 to index
      %parallel_loop3A_222 = arith.constant 112 : index
      %parallel_loop3A_223 = tpu.vector_load %arg6[%parallel_loop3A_221, %parallel_loop3A_222] {strides = array<i32>} : memref<128x128xi32, #tpu.memory_space<vmem>>, vector<16xi32>,
      tpu.vector_store %arg6[%parallel_loop3A_221, %parallel_loop3A_222], %broadcast_in_dim3A_1 {strides = array<i32>} : memref<128x128xi32, #tpu.memory_space<vmem>>, vector<16xi32>,
      %parallel_loop3A_224 = arith.constant 5 : i32
      %parallel_loop3A_225 = arith.addi %parallel_loop3A_23, %parallel_loop3A_224 : i32
      %parallel_loop3A_226 = arith.index_cast %parallel_loop3A_225 : i32 to index
      %parallel_loop3A_227 = arith.constant 0 : index
      %parallel_loop3A_228 = tpu.vector_load %arg6[%parallel_loop3A_226, %parallel_loop3A_227] {strides = array<i32>} : memref<128x128xi32, #tpu.memory_space<vmem>>, vector<16xi32>,
      tpu.vector_store %arg6[%parallel_loop3A_226, %parallel_loop3A_227], %broadcast_in_dim3A_1 {strides = array<i32>} : memref<128x128xi32, #tpu.memory_space<vmem>>, vector<16xi32>,
      %parallel_loop3A_229 = arith.constant 5 : i32
      %parallel_loop3A_230 = arith.addi %parallel_loop3A_23, %parallel_loop3A_229 : i32
      %parallel_loop3A_231 = arith.index_cast %parallel_loop3A_230 : i32 to index
      %parallel_loop3A_232 = arith.constant 16 : index
      %parallel_loop3A_233 = tpu.vector_load %arg6[%parallel_loop3A_231, %parallel_loop3A_232] {strides = array<i32>} : memref<128x128xi32, #tpu.memory_space<vmem>>, vector<16xi32>,
      tpu.vector_store %arg6[%parallel_loop3A_231, %parallel_loop3A_232], %broadcast_in_dim3A_1 {strides = array<i32>} : memref<128x128xi32, #tpu.memory_space<vmem>>, vector<16xi32>,
      %parallel_loop3A_234 = arith.constant 5 : i32
      %parallel_loop3A_235 = arith.addi %parallel_loop3A_23, %parallel_loop3A_234 : i32
      %parallel_loop3A_236 = arith.index_cast %parallel_loop3A_235 : i32 to index
      %parallel_loop3A_237 = arith.constant 32 : index
      %parallel_loop3A_238 = tpu.vector_load %arg6[%parallel_loop3A_236, %parallel_loop3A_237] {strides = array<i32>} : memref<128x128xi32, #tpu.memory_space<vmem>>, vector<16xi32>,
      tpu.vector_store %arg6[%parallel_loop3A_236, %parallel_loop3A_237], %broadcast_in_dim3A_1 {strides = array<i32>} : memref<128x128xi32, #tpu.memory_space<vmem>>, vector<16xi32>,
      %parallel_loop3A_239 = arith.constant 5 : i32
      %parallel_loop3A_240 = arith.addi %parallel_loop3A_23, %parallel_loop3A_239 : i32
      %parallel_loop3A_241 = arith.index_cast %parallel_loop3A_240 : i32 to index
      %parallel_loop3A_242 = arith.constant 48 : index
      %parallel_loop3A_243 = tpu.vector_load %arg6[%parallel_loop3A_241, %parallel_loop3A_242] {strides = array<i32>} : memref<128x128xi32, #tpu.memory_space<vmem>>, vector<16xi32>,
      tpu.vector_store %arg6[%parallel_loop3A_241, %parallel_loop3A_242], %broadcast_in_dim3A_1 {strides = array<i32>} : memref<128x128xi32, #tpu.memory_space<vmem>>, vector<16xi32>,
      %parallel_loop3A_244 = arith.constant 5 : i32
      %parallel_loop3A_245 = arith.addi %parallel_loop3A_23, %parallel_loop3A_244 : i32
      %parallel_loop3A_246 = arith.index_cast %parallel_loop3A_245 : i32 to index
      %parallel_loop3A_247 = arith.constant 64 : index
      %parallel_loop3A_248 = tpu.vector_load %arg6[%parallel_loop3A_246, %parallel_loop3A_247] {strides = array<i32>} : memref<128x128xi32, #tpu.memory_space<vmem>>, vector<16xi32>,
      tpu.vector_store %arg6[%parallel_loop3A_246, %parallel_loop3A_247], %broadcast_in_dim3A_1 {strides = array<i32>} : memref<128x128xi32, #tpu.memory_space<vmem>>, vector<16xi32>,
      %parallel_loop3A_249 = arith.constant 5 : i32
      %parallel_loop3A_250 = arith.addi %parallel_loop3A_23, %parallel_loop3A_249 : i32
      %parallel_loop3A_251 = arith.index_cast %parallel_loop3A_250 : i32 to index
      %parallel_loop3A_252 = arith.constant 80 : index
      %parallel_loop3A_253 = tpu.vector_load %arg6[%parallel_loop3A_251, %parallel_loop3A_252] {strides = array<i32>} : memref<128x128xi32, #tpu.memory_space<vmem>>, vector<16xi32>,
      tpu.vector_store %arg6[%parallel_loop3A_251, %parallel_loop3A_252], %broadcast_in_dim3A_1 {strides = array<i32>} : memref<128x128xi32, #tpu.memory_space<vmem>>, vector<16xi32>,
      %parallel_loop3A_254 = arith.constant 5 : i32
      %parallel_loop3A_255 = arith.addi %parallel_loop3A_23, %parallel_loop3A_254 : i32
      %parallel_loop3A_256 = arith.index_cast %parallel_loop3A_255 : i32 to index
      %parallel_loop3A_257 = arith.constant 96 : index
      %parallel_loop3A_258 = tpu.vector_load %arg6[%parallel_loop3A_256, %parallel_loop3A_257] {strides = array<i32>} : memref<128x128xi32, #tpu.memory_space<vmem>>, vector<16xi32>,
      tpu.vector_store %arg6[%parallel_loop3A_256, %parallel_loop3A_257], %broadcast_in_dim3A_1 {strides = array<i32>} : memref<128x128xi32, #tpu.memory_space<vmem>>, vector<16xi32>,
      %parallel_loop3A_259 = arith.constant 5 : i32
      %parallel_loop3A_260 = arith.addi %parallel_loop3A_23, %parallel_loop3A_259 : i32
      %parallel_loop3A_261 = arith.index_cast %parallel_loop3A_260 : i32 to index
      %parallel_loop3A_262 = arith.constant 112 : index
      %parallel_loop3A_263 = tpu.vector_load %arg6[%parallel_loop3A_261, %parallel_loop3A_262] {strides = array<i32>} : memref<128x128xi32, #tpu.memory_space<vmem>>, vector<16xi32>,
      tpu.vector_store %arg6[%parallel_loop3A_261, %parallel_loop3A_262], %broadcast_in_dim3A_1 {strides = array<i32>} : memref<128x128xi32, #tpu.memory_space<vmem>>, vector<16xi32>,
      %parallel_loop3A_264 = arith.constant 6 : i32
      %parallel_loop3A_265 = arith.addi %parallel_loop3A_23, %parallel_loop3A_264 : i32
      %parallel_loop3A_266 = arith.index_cast %parallel_loop3A_265 : i32 to index
      %parallel_loop3A_267 = arith.constant 0 : index
      %parallel_loop3A_268 = tpu.vector_load %arg6[%parallel_loop3A_266, %parallel_loop3A_267] {strides = array<i32>} : memref<128x128xi32, #tpu.memory_space<vmem>>, vector<16xi32>,
      tpu.vector_store %arg6[%parallel_loop3A_266, %parallel_loop3A_267], %broadcast_in_dim3A_1 {strides = array<i32>} : memref<128x128xi32, #tpu.memory_space<vmem>>, vector<16xi32>,
      %parallel_loop3A_269 = arith.constant 6 : i32
      %parallel_loop3A_270 = arith.addi %parallel_loop3A_23, %parallel_loop3A_269 : i32
      %parallel_loop3A_271 = arith.index_cast %parallel_loop3A_270 : i32 to index
      %parallel_loop3A_272 = arith.constant 16 : index
      %parallel_loop3A_273 = tpu.vector_load %arg6[%parallel_loop3A_271, %parallel_loop3A_272] {strides = array<i32>} : memref<128x128xi32, #tpu.memory_space<vmem>>, vector<16xi32>,
      tpu.vector_store %arg6[%parallel_loop3A_271, %parallel_loop3A_272], %broadcast_in_dim3A_1 {strides = array<i32>} : memref<128x128xi32, #tpu.memory_space<vmem>>, vector<16xi32>,
      %parallel_loop3A_274 = arith.constant 6 : i32
      %parallel_loop3A_275 = arith.addi %parallel_loop3A_23, %parallel_loop3A_274 : i32
      %parallel_loop3A_276 = arith.index_cast %parallel_loop3A_275 : i32 to index
      %parallel_loop3A_277 = arith.constant 32 : index
      %parallel_loop3A_278 = tpu.vector_load %arg6[%parallel_loop3A_276, %parallel_loop3A_277] {strides = array<i32>} : memref<128x128xi32, #tpu.memory_space<vmem>>, vector<16xi32>,
      tpu.vector_store %arg6[%parallel_loop3A_276, %parallel_loop3A_277], %broadcast_in_dim3A_1 {strides = array<i32>} : memref<128x128xi32, #tpu.memory_space<vmem>>, vector<16xi32>,
      %parallel_loop3A_279 = arith.constant 6 : i32
      %parallel_loop3A_280 = arith.addi %parallel_loop3A_23, %parallel_loop3A_279 : i32
      %parallel_loop3A_281 = arith.index_cast %parallel_loop3A_280 : i32 to index
      %parallel_loop3A_282 = arith.constant 48 : index
      %parallel_loop3A_283 = tpu.vector_load %arg6[%parallel_loop3A_281, %parallel_loop3A_282] {strides = array<i32>} : memref<128x128xi32, #tpu.memory_space<vmem>>, vector<16xi32>,
      tpu.vector_store %arg6[%parallel_loop3A_281, %parallel_loop3A_282], %broadcast_in_dim3A_1 {strides = array<i32>} : memref<128x128xi32, #tpu.memory_space<vmem>>, vector<16xi32>,
      %parallel_loop3A_284 = arith.constant 6 : i32
      %parallel_loop3A_285 = arith.addi %parallel_loop3A_23, %parallel_loop3A_284 : i32
      %parallel_loop3A_286 = arith.index_cast %parallel_loop3A_285 : i32 to index
      %parallel_loop3A_287 = arith.constant 64 : index
      %parallel_loop3A_288 = tpu.vector_load %arg6[%parallel_loop3A_286, %parallel_loop3A_287] {strides = array<i32>} : memref<128x128xi32, #tpu.memory_space<vmem>>, vector<16xi32>,
      tpu.vector_store %arg6[%parallel_loop3A_286, %parallel_loop3A_287], %broadcast_in_dim3A_1 {strides = array<i32>} : memref<128x128xi32, #tpu.memory_space<vmem>>, vector<16xi32>,
      %parallel_loop3A_289 = arith.constant 6 : i32
      %parallel_loop3A_290 = arith.addi %parallel_loop3A_23, %parallel_loop3A_289 : i32
      %parallel_loop3A_291 = arith.index_cast %parallel_loop3A_290 : i32 to index
      %parallel_loop3A_292 = arith.constant 80 : index
      %parallel_loop3A_293 = tpu.vector_load %arg6[%parallel_loop3A_291, %parallel_loop3A_292] {strides = array<i32>} : memref<128x128xi32, #tpu.memory_space<vmem>>, vector<16xi32>,
      tpu.vector_store %arg6[%parallel_loop3A_291, %parallel_loop3A_292], %broadcast_in_dim3A_1 {strides = array<i32>} : memref<128x128xi32, #tpu.memory_space<vmem>>, vector<16xi32>,
      %parallel_loop3A_294 = arith.constant 6 : i32
      %parallel_loop3A_295 = arith.addi %parallel_loop3A_23, %parallel_loop3A_294 : i32
      %parallel_loop3A_296 = arith.index_cast %parallel_loop3A_295 : i32 to index
      %parallel_loop3A_297 = arith.constant 96 : index
      %parallel_loop3A_298 = tpu.vector_load %arg6[%parallel_loop3A_296, %parallel_loop3A_297] {strides = array<i32>} : memref<128x128xi32, #tpu.memory_space<vmem>>, vector<16xi32>,
      tpu.vector_store %arg6[%parallel_loop3A_296, %parallel_loop3A_297], %broadcast_in_dim3A_1 {strides = array<i32>} : memref<128x128xi32, #tpu.memory_space<vmem>>, vector<16xi32>,
      %parallel_loop3A_299 = arith.constant 6 : i32
      %parallel_loop3A_300 = arith.addi %parallel_loop3A_23, %parallel_loop3A_299 : i32
      %parallel_loop3A_301 = arith.index_cast %parallel_loop3A_300 : i32 to index
      %parallel_loop3A_302 = arith.constant 112 : index
      %parallel_loop3A_303 = tpu.vector_load %arg6[%parallel_loop3A_301, %parallel_loop3A_302] {strides = array<i32>} : memref<128x128xi32, #tpu.memory_space<vmem>>, vector<16xi32>,
      tpu.vector_store %arg6[%parallel_loop3A_301, %parallel_loop3A_302], %broadcast_in_dim3A_1 {strides = array<i32>} : memref<128x128xi32, #tpu.memory_space<vmem>>, vector<16xi32>,
      %parallel_loop3A_304 = arith.constant 7 : i32
      %parallel_loop3A_305 = arith.addi %parallel_loop3A_23, %parallel_loop3A_304 : i32
      %parallel_loop3A_306 = arith.index_cast %parallel_loop3A_305 : i32 to index
      %parallel_loop3A_307 = arith.constant 0 : index
      %parallel_loop3A_308 = tpu.vector_load %arg6[%parallel_loop3A_306, %parallel_loop3A_307] {strides = array<i32>} : memref<128x128xi32, #tpu.memory_space<vmem>>, vector<16xi32>,
      tpu.vector_store %arg6[%parallel_loop3A_306, %parallel_loop3A_307], %broadcast_in_dim3A_1 {strides = array<i32>} : memref<128x128xi32, #tpu.memory_space<vmem>>, vector<16xi32>,
      %parallel_loop3A_309 = arith.constant 7 : i32
      %parallel_loop3A_310 = arith.addi %parallel_loop3A_23, %parallel_loop3A_309 : i32
      %parallel_loop3A_311 = arith.index_cast %parallel_loop3A_310 : i32 to index
      %parallel_loop3A_312 = arith.constant 16 : index
      %parallel_loop3A_313 = tpu.vector_load %arg6[%parallel_loop3A_311, %parallel_loop3A_312] {strides = array<i32>} : memref<128x128xi32, #tpu.memory_space<vmem>>, vector<16xi32>,
      tpu.vector_store %arg6[%parallel_loop3A_311, %parallel_loop3A_312], %broadcast_in_dim3A_1 {strides = array<i32>} : memref<128x128xi32, #tpu.memory_space<vmem>>, vector<16xi32>,
      %parallel_loop3A_314 = arith.constant 7 : i32
      %parallel_loop3A_315 = arith.addi %parallel_loop3A_23, %parallel_loop3A_314 : i32
      %parallel_loop3A_316 = arith.index_cast %parallel_loop3A_315 : i32 to index
      %parallel_loop3A_317 = arith.constant 32 : index
      %parallel_loop3A_318 = tpu.vector_load %arg6[%parallel_loop3A_316, %parallel_loop3A_317] {strides = array<i32>} : memref<128x128xi32, #tpu.memory_space<vmem>>, vector<16xi32>,
      tpu.vector_store %arg6[%parallel_loop3A_316, %parallel_loop3A_317], %broadcast_in_dim3A_1 {strides = array<i32>} : memref<128x128xi32, #tpu.memory_space<vmem>>, vector<16xi32>,
      %parallel_loop3A_319 = arith.constant 7 : i32
      %parallel_loop3A_320 = arith.addi %parallel_loop3A_23, %parallel_loop3A_319 : i32
      %parallel_loop3A_321 = arith.index_cast %parallel_loop3A_320 : i32 to index
      %parallel_loop3A_322 = arith.constant 48 : index
      %parallel_loop3A_323 = tpu.vector_load %arg6[%parallel_loop3A_321, %parallel_loop3A_322] {strides = array<i32>} : memref<128x128xi32, #tpu.memory_space<vmem>>, vector<16xi32>,
      tpu.vector_store %arg6[%parallel_loop3A_321, %parallel_loop3A_322], %broadcast_in_dim3A_1 {strides = array<i32>} : memref<128x128xi32, #tpu.memory_space<vmem>>, vector<16xi32>,
      %parallel_loop3A_324 = arith.constant 7 : i32
      %parallel_loop3A_325 = arith.addi %parallel_loop3A_23, %parallel_loop3A_324 : i32
      %parallel_loop3A_326 = arith.index_cast %parallel_loop3A_325 : i32 to index
      %parallel_loop3A_327 = arith.constant 64 : index
      %parallel_loop3A_328 = tpu.vector_load %arg6[%parallel_loop3A_326, %parallel_loop3A_327] {strides = array<i32>} : memref<128x128xi32, #tpu.memory_space<vmem>>, vector<16xi32>,
      tpu.vector_store %arg6[%parallel_loop3A_326, %parallel_loop3A_327], %broadcast_in_dim3A_1 {strides = array<i32>} : memref<128x128xi32, #tpu.memory_space<vmem>>, vector<16xi32>,
      %parallel_loop3A_329 = arith.constant 7 : i32
      %parallel_loop3A_330 = arith.addi %parallel_loop3A_23, %parallel_loop3A_329 : i32
      %parallel_loop3A_331 = arith.index_cast %parallel_loop3A_330 : i32 to index
      %parallel_loop3A_332 = arith.constant 80 : index
      %parallel_loop3A_333 = tpu.vector_load %arg6[%parallel_loop3A_331, %parallel_loop3A_332] {strides = array<i32>} : memref<128x128xi32, #tpu.memory_space<vmem>>, vector<16xi32>,
      tpu.vector_store %arg6[%parallel_loop3A_331, %parallel_loop3A_332], %broadcast_in_dim3A_1 {strides = array<i32>} : memref<128x128xi32, #tpu.memory_space<vmem>>, vector<16xi32>,
      %parallel_loop3A_334 = arith.constant 7 : i32
      %parallel_loop3A_335 = arith.addi %parallel_loop3A_23, %parallel_loop3A_334 : i32
      %parallel_loop3A_336 = arith.index_cast %parallel_loop3A_335 : i32 to index
      %parallel_loop3A_337 = arith.constant 96 : index
      %parallel_loop3A_338 = tpu.vector_load %arg6[%parallel_loop3A_336, %parallel_loop3A_337] {strides = array<i32>} : memref<128x128xi32, #tpu.memory_space<vmem>>, vector<16xi32>,
      tpu.vector_store %arg6[%parallel_loop3A_336, %parallel_loop3A_337], %broadcast_in_dim3A_1 {strides = array<i32>} : memref<128x128xi32, #tpu.memory_space<vmem>>, vector<16xi32>,
      %parallel_loop3A_339 = arith.constant 7 : i32
      %parallel_loop3A_340 = arith.addi %parallel_loop3A_23, %parallel_loop3A_339 : i32
      %parallel_loop3A_341 = arith.index_cast %parallel_loop3A_340 : i32 to index
      %parallel_loop3A_342 = arith.constant 112 : index
      %parallel_loop3A_343 = tpu.vector_load %arg6[%parallel_loop3A_341, %parallel_loop3A_342] {strides = array<i32>} : memref<128x128xi32, #tpu.memory_space<vmem>>, vector<16xi32>,
      tpu.vector_store %arg6[%parallel_loop3A_341, %parallel_loop3A_342], %broadcast_in_dim3A_1 {strides = array<i32>} : memref<128x128xi32, #tpu.memory_space<vmem>>, vector<16xi32>,
    } {sc.loop_unroll_factor = 1 : i64, sc.parallel_access}
    %mul3A_4 = arith.constant 31232 : i32
    %mul3A_5 = arith.muli %add3A, %mul3A_4 : i32
    "tpu.region"() ({
      %run_scoped3A = tpu.sem_alloc : memref<!tpu.dma_semaphore, #tpu.memory_space<semaphore_mem>>
      %dma_start3A = tpu.memref_slice %arg2[%mul3A_5] : memref<1000000xf32, #tpu.memory_space<hbm>> -> memref<31232xf32, #tpu.memory_space<hbm>>
      %dma_start3A_23 = tpu.memref_slice %arg2[%mul3A_5] : memref<1000000xf32, #tpu.memory_space<hbm>> -> memref<31232xf32, #tpu.memory_space<hbm>>
      tpu.enqueue_dma source(%dma_start3A_23 : memref<31232xf32, #tpu.memory_space<hbm>>) target(%arg4 : memref<31232xf32, #tpu.memory_space<vmem>>) target_semaphore(%run_scoped3A : memref<!tpu.dma_semaphore, #tpu.memory_space<semaphore_mem>>)
      %dma_wait3A = tpu.memref_slice %arg2[%mul3A_5] : memref<1000000xf32, #tpu.memory_space<hbm>> -> memref<31232xf32, #tpu.memory_space<hbm>>
      %dma_wait3A_24 = tpu.memref_slice %arg2[%mul3A_5] : memref<1000000xf32, #tpu.memory_space<hbm>> -> memref<31232xf32, #tpu.memory_space<hbm>>
      tpu.wait_dma2 semaphore(%run_scoped3A : memref<!tpu.dma_semaphore, #tpu.memory_space<semaphore_mem>>) src(%dma_wait3A_24 : memref<31232xf32, #tpu.memory_space<hbm>>) dst(%arg4 : memref<31232xf32, #tpu.memory_space<vmem>>)
      tpu.yield
    }) : () -> ()
    %broadcast_in_dim3A_6 = arith.constant 1 : i32
    %broadcast_in_dim3A_7 = vector.broadcast %broadcast_in_dim3A_6 : i32 to vector<16xi32>
    %broadcast_in_dim3A_8 = arith.constant 25 : i32
    %broadcast_in_dim3A_9 = vector.broadcast %broadcast_in_dim3A_8 : i32 to vector<16xi32>
    %broadcast_in_dim3A_10 = arith.constant 18 : i32
    %broadcast_in_dim3A_11 = vector.broadcast %broadcast_in_dim3A_10 : i32 to vector<16xi32>
    %broadcast_in_dim3A_12 = arith.constant 127 : i32
    %broadcast_in_dim3A_13 = vector.broadcast %broadcast_in_dim3A_12 : i32 to vector<16xi32>
    %parallel_loop3A_14 = arith.constant 0 : i32
    %parallel_loop3A_15 = arith.constant 1952 : i32
    %parallel_loop3A_16 = arith.constant 8 : i32
    scf.for %parallel_loop3A_23 = %parallel_loop3A_14 to %parallel_loop3A_15 step %parallel_loop3A_16  : i32 {
      %parallel_loop3A_24 = arith.constant 0 : i32
      %parallel_loop3A_25 = arith.addi %parallel_loop3A_23, %parallel_loop3A_24 : i32
      %parallel_loop3A_26 = arith.constant 16 : i32
      %parallel_loop3A_27 = arith.muli %parallel_loop3A_25, %parallel_loop3A_26 : i32
      %parallel_loop3A_28 = arith.index_cast %parallel_loop3A_27 : i32 to index
      %parallel_loop3A_29 = tpu.vector_load %arg4[%parallel_loop3A_28] {strides = array<i32>} : memref<31232xf32, #tpu.memory_space<vmem>>, vector<16xf32>,
      %parallel_loop3A_30 = tpu.bitcast %parallel_loop3A_29 : vector<16xf32> -> vector<16xi32>
      %parallel_loop3A_31 = arith.constant 31 : i32
      %parallel_loop3A_32 = vector.broadcast %parallel_loop3A_31 : i32 to vector<16xi32>
      %parallel_loop3A_33 = arith.shrsi %parallel_loop3A_30, %parallel_loop3A_32 : vector<16xi32>
      %parallel_loop3A_34 = arith.constant -2147483648 : i32
      %parallel_loop3A_35 = vector.broadcast %parallel_loop3A_34 : i32 to vector<16xi32>
      %parallel_loop3A_36 = arith.ori %parallel_loop3A_33, %parallel_loop3A_35 : vector<16xi32>
      %parallel_loop3A_37 = arith.xori %parallel_loop3A_30, %parallel_loop3A_36 : vector<16xi32>
      %parallel_loop3A_38 = arith.shrui %parallel_loop3A_37, %broadcast_in_dim3A_9 : vector<16xi32>
      %parallel_loop3A_39 = arith.shrui %parallel_loop3A_37, %broadcast_in_dim3A_11 : vector<16xi32>
      %parallel_loop3A_40 = arith.andi %parallel_loop3A_39, %broadcast_in_dim3A_13 : vector<16xi32>
      tpu.vector_store_idx %arg6[%parallel_loop3A_38, %parallel_loop3A_40], %broadcast_in_dim3A_7 {add = true} : memref<128x128xi32, #tpu.memory_space<vmem>>[vector<16xi32>, vector<16xi32>], vector<16xi32>,
      %parallel_loop3A_41 = arith.constant 1 : i32
      %parallel_loop3A_42 = arith.addi %parallel_loop3A_23, %parallel_loop3A_41 : i32
      %parallel_loop3A_43 = arith.constant 16 : i32
      %parallel_loop3A_44 = arith.muli %parallel_loop3A_42, %parallel_loop3A_43 : i32
      %parallel_loop3A_45 = arith.index_cast %parallel_loop3A_44 : i32 to index
      %parallel_loop3A_46 = tpu.vector_load %arg4[%parallel_loop3A_45] {strides = array<i32>} : memref<31232xf32, #tpu.memory_space<vmem>>, vector<16xf32>,
      %parallel_loop3A_47 = tpu.bitcast %parallel_loop3A_46 : vector<16xf32> -> vector<16xi32>
      %parallel_loop3A_48 = arith.constant 31 : i32
      %parallel_loop3A_49 = vector.broadcast %parallel_loop3A_48 : i32 to vector<16xi32>
      %parallel_loop3A_50 = arith.shrsi %parallel_loop3A_47, %parallel_loop3A_49 : vector<16xi32>
      %parallel_loop3A_51 = arith.constant -2147483648 : i32
      %parallel_loop3A_52 = vector.broadcast %parallel_loop3A_51 : i32 to vector<16xi32>
      %parallel_loop3A_53 = arith.ori %parallel_loop3A_50, %parallel_loop3A_52 : vector<16xi32>
      %parallel_loop3A_54 = arith.xori %parallel_loop3A_47, %parallel_loop3A_53 : vector<16xi32>
      %parallel_loop3A_55 = arith.shrui %parallel_loop3A_54, %broadcast_in_dim3A_9 : vector<16xi32>
      %parallel_loop3A_56 = arith.shrui %parallel_loop3A_54, %broadcast_in_dim3A_11 : vector<16xi32>
      %parallel_loop3A_57 = arith.andi %parallel_loop3A_56, %broadcast_in_dim3A_13 : vector<16xi32>
      tpu.vector_store_idx %arg6[%parallel_loop3A_55, %parallel_loop3A_57], %broadcast_in_dim3A_7 {add = true} : memref<128x128xi32, #tpu.memory_space<vmem>>[vector<16xi32>, vector<16xi32>], vector<16xi32>,
      %parallel_loop3A_58 = arith.constant 2 : i32
      %parallel_loop3A_59 = arith.addi %parallel_loop3A_23, %parallel_loop3A_58 : i32
      %parallel_loop3A_60 = arith.constant 16 : i32
      %parallel_loop3A_61 = arith.muli %parallel_loop3A_59, %parallel_loop3A_60 : i32
      %parallel_loop3A_62 = arith.index_cast %parallel_loop3A_61 : i32 to index
      %parallel_loop3A_63 = tpu.vector_load %arg4[%parallel_loop3A_62] {strides = array<i32>} : memref<31232xf32, #tpu.memory_space<vmem>>, vector<16xf32>,
      %parallel_loop3A_64 = tpu.bitcast %parallel_loop3A_63 : vector<16xf32> -> vector<16xi32>
      %parallel_loop3A_65 = arith.constant 31 : i32
      %parallel_loop3A_66 = vector.broadcast %parallel_loop3A_65 : i32 to vector<16xi32>
      %parallel_loop3A_67 = arith.shrsi %parallel_loop3A_64, %parallel_loop3A_66 : vector<16xi32>
      %parallel_loop3A_68 = arith.constant -2147483648 : i32
      %parallel_loop3A_69 = vector.broadcast %parallel_loop3A_68 : i32 to vector<16xi32>
      %parallel_loop3A_70 = arith.ori %parallel_loop3A_67, %parallel_loop3A_69 : vector<16xi32>
      %parallel_loop3A_71 = arith.xori %parallel_loop3A_64, %parallel_loop3A_70 : vector<16xi32>
      %parallel_loop3A_72 = arith.shrui %parallel_loop3A_71, %broadcast_in_dim3A_9 : vector<16xi32>
      %parallel_loop3A_73 = arith.shrui %parallel_loop3A_71, %broadcast_in_dim3A_11 : vector<16xi32>
      %parallel_loop3A_74 = arith.andi %parallel_loop3A_73, %broadcast_in_dim3A_13 : vector<16xi32>
      tpu.vector_store_idx %arg6[%parallel_loop3A_72, %parallel_loop3A_74], %broadcast_in_dim3A_7 {add = true} : memref<128x128xi32, #tpu.memory_space<vmem>>[vector<16xi32>, vector<16xi32>], vector<16xi32>,
      %parallel_loop3A_75 = arith.constant 3 : i32
      %parallel_loop3A_76 = arith.addi %parallel_loop3A_23, %parallel_loop3A_75 : i32
      %parallel_loop3A_77 = arith.constant 16 : i32
      %parallel_loop3A_78 = arith.muli %parallel_loop3A_76, %parallel_loop3A_77 : i32
      %parallel_loop3A_79 = arith.index_cast %parallel_loop3A_78 : i32 to index
      %parallel_loop3A_80 = tpu.vector_load %arg4[%parallel_loop3A_79] {strides = array<i32>} : memref<31232xf32, #tpu.memory_space<vmem>>, vector<16xf32>,
      %parallel_loop3A_81 = tpu.bitcast %parallel_loop3A_80 : vector<16xf32> -> vector<16xi32>
      %parallel_loop3A_82 = arith.constant 31 : i32
      %parallel_loop3A_83 = vector.broadcast %parallel_loop3A_82 : i32 to vector<16xi32>
      %parallel_loop3A_84 = arith.shrsi %parallel_loop3A_81, %parallel_loop3A_83 : vector<16xi32>
      %parallel_loop3A_85 = arith.constant -2147483648 : i32
      %parallel_loop3A_86 = vector.broadcast %parallel_loop3A_85 : i32 to vector<16xi32>
      %parallel_loop3A_87 = arith.ori %parallel_loop3A_84, %parallel_loop3A_86 : vector<16xi32>
      %parallel_loop3A_88 = arith.xori %parallel_loop3A_81, %parallel_loop3A_87 : vector<16xi32>
      %parallel_loop3A_89 = arith.shrui %parallel_loop3A_88, %broadcast_in_dim3A_9 : vector<16xi32>
      %parallel_loop3A_90 = arith.shrui %parallel_loop3A_88, %broadcast_in_dim3A_11 : vector<16xi32>
      %parallel_loop3A_91 = arith.andi %parallel_loop3A_90, %broadcast_in_dim3A_13 : vector<16xi32>
      tpu.vector_store_idx %arg6[%parallel_loop3A_89, %parallel_loop3A_91], %broadcast_in_dim3A_7 {add = true} : memref<128x128xi32, #tpu.memory_space<vmem>>[vector<16xi32>, vector<16xi32>], vector<16xi32>,
      %parallel_loop3A_92 = arith.constant 4 : i32
      %parallel_loop3A_93 = arith.addi %parallel_loop3A_23, %parallel_loop3A_92 : i32
      %parallel_loop3A_94 = arith.constant 16 : i32
      %parallel_loop3A_95 = arith.muli %parallel_loop3A_93, %parallel_loop3A_94 : i32
      %parallel_loop3A_96 = arith.index_cast %parallel_loop3A_95 : i32 to index
      %parallel_loop3A_97 = tpu.vector_load %arg4[%parallel_loop3A_96] {strides = array<i32>} : memref<31232xf32, #tpu.memory_space<vmem>>, vector<16xf32>,
      %parallel_loop3A_98 = tpu.bitcast %parallel_loop3A_97 : vector<16xf32> -> vector<16xi32>
      %parallel_loop3A_99 = arith.constant 31 : i32
      %parallel_loop3A_100 = vector.broadcast %parallel_loop3A_99 : i32 to vector<16xi32>
      %parallel_loop3A_101 = arith.shrsi %parallel_loop3A_98, %parallel_loop3A_100 : vector<16xi32>
      %parallel_loop3A_102 = arith.constant -2147483648 : i32
      %parallel_loop3A_103 = vector.broadcast %parallel_loop3A_102 : i32 to vector<16xi32>
      %parallel_loop3A_104 = arith.ori %parallel_loop3A_101, %parallel_loop3A_103 : vector<16xi32>
      %parallel_loop3A_105 = arith.xori %parallel_loop3A_98, %parallel_loop3A_104 : vector<16xi32>
      %parallel_loop3A_106 = arith.shrui %parallel_loop3A_105, %broadcast_in_dim3A_9 : vector<16xi32>
      %parallel_loop3A_107 = arith.shrui %parallel_loop3A_105, %broadcast_in_dim3A_11 : vector<16xi32>
      %parallel_loop3A_108 = arith.andi %parallel_loop3A_107, %broadcast_in_dim3A_13 : vector<16xi32>
      tpu.vector_store_idx %arg6[%parallel_loop3A_106, %parallel_loop3A_108], %broadcast_in_dim3A_7 {add = true} : memref<128x128xi32, #tpu.memory_space<vmem>>[vector<16xi32>, vector<16xi32>], vector<16xi32>,
      %parallel_loop3A_109 = arith.constant 5 : i32
      %parallel_loop3A_110 = arith.addi %parallel_loop3A_23, %parallel_loop3A_109 : i32
      %parallel_loop3A_111 = arith.constant 16 : i32
      %parallel_loop3A_112 = arith.muli %parallel_loop3A_110, %parallel_loop3A_111 : i32
      %parallel_loop3A_113 = arith.index_cast %parallel_loop3A_112 : i32 to index
      %parallel_loop3A_114 = tpu.vector_load %arg4[%parallel_loop3A_113] {strides = array<i32>} : memref<31232xf32, #tpu.memory_space<vmem>>, vector<16xf32>,
      %parallel_loop3A_115 = tpu.bitcast %parallel_loop3A_114 : vector<16xf32> -> vector<16xi32>
      %parallel_loop3A_116 = arith.constant 31 : i32
      %parallel_loop3A_117 = vector.broadcast %parallel_loop3A_116 : i32 to vector<16xi32>
      %parallel_loop3A_118 = arith.shrsi %parallel_loop3A_115, %parallel_loop3A_117 : vector<16xi32>
      %parallel_loop3A_119 = arith.constant -2147483648 : i32
      %parallel_loop3A_120 = vector.broadcast %parallel_loop3A_119 : i32 to vector<16xi32>
      %parallel_loop3A_121 = arith.ori %parallel_loop3A_118, %parallel_loop3A_120 : vector<16xi32>
      %parallel_loop3A_122 = arith.xori %parallel_loop3A_115, %parallel_loop3A_121 : vector<16xi32>
      %parallel_loop3A_123 = arith.shrui %parallel_loop3A_122, %broadcast_in_dim3A_9 : vector<16xi32>
      %parallel_loop3A_124 = arith.shrui %parallel_loop3A_122, %broadcast_in_dim3A_11 : vector<16xi32>
      %parallel_loop3A_125 = arith.andi %parallel_loop3A_124, %broadcast_in_dim3A_13 : vector<16xi32>
      tpu.vector_store_idx %arg6[%parallel_loop3A_123, %parallel_loop3A_125], %broadcast_in_dim3A_7 {add = true} : memref<128x128xi32, #tpu.memory_space<vmem>>[vector<16xi32>, vector<16xi32>], vector<16xi32>,
      %parallel_loop3A_126 = arith.constant 6 : i32
      %parallel_loop3A_127 = arith.addi %parallel_loop3A_23, %parallel_loop3A_126 : i32
      %parallel_loop3A_128 = arith.constant 16 : i32
      %parallel_loop3A_129 = arith.muli %parallel_loop3A_127, %parallel_loop3A_128 : i32
      %parallel_loop3A_130 = arith.index_cast %parallel_loop3A_129 : i32 to index
      %parallel_loop3A_131 = tpu.vector_load %arg4[%parallel_loop3A_130] {strides = array<i32>} : memref<31232xf32, #tpu.memory_space<vmem>>, vector<16xf32>,
      %parallel_loop3A_132 = tpu.bitcast %parallel_loop3A_131 : vector<16xf32> -> vector<16xi32>
      %parallel_loop3A_133 = arith.constant 31 : i32
      %parallel_loop3A_134 = vector.broadcast %parallel_loop3A_133 : i32 to vector<16xi32>
      %parallel_loop3A_135 = arith.shrsi %parallel_loop3A_132, %parallel_loop3A_134 : vector<16xi32>
      %parallel_loop3A_136 = arith.constant -2147483648 : i32
      %parallel_loop3A_137 = vector.broadcast %parallel_loop3A_136 : i32 to vector<16xi32>
      %parallel_loop3A_138 = arith.ori %parallel_loop3A_135, %parallel_loop3A_137 : vector<16xi32>
      %parallel_loop3A_139 = arith.xori %parallel_loop3A_132, %parallel_loop3A_138 : vector<16xi32>
      %parallel_loop3A_140 = arith.shrui %parallel_loop3A_139, %broadcast_in_dim3A_9 : vector<16xi32>
      %parallel_loop3A_141 = arith.shrui %parallel_loop3A_139, %broadcast_in_dim3A_11 : vector<16xi32>
      %parallel_loop3A_142 = arith.andi %parallel_loop3A_141, %broadcast_in_dim3A_13 : vector<16xi32>
      tpu.vector_store_idx %arg6[%parallel_loop3A_140, %parallel_loop3A_142], %broadcast_in_dim3A_7 {add = true} : memref<128x128xi32, #tpu.memory_space<vmem>>[vector<16xi32>, vector<16xi32>], vector<16xi32>,
      %parallel_loop3A_143 = arith.constant 7 : i32
      %parallel_loop3A_144 = arith.addi %parallel_loop3A_23, %parallel_loop3A_143 : i32
      %parallel_loop3A_145 = arith.constant 16 : i32
      %parallel_loop3A_146 = arith.muli %parallel_loop3A_144, %parallel_loop3A_145 : i32
      %parallel_loop3A_147 = arith.index_cast %parallel_loop3A_146 : i32 to index
      %parallel_loop3A_148 = tpu.vector_load %arg4[%parallel_loop3A_147] {strides = array<i32>} : memref<31232xf32, #tpu.memory_space<vmem>>, vector<16xf32>,
      %parallel_loop3A_149 = tpu.bitcast %parallel_loop3A_148 : vector<16xf32> -> vector<16xi32>
      %parallel_loop3A_150 = arith.constant 31 : i32
      %parallel_loop3A_151 = vector.broadcast %parallel_loop3A_150 : i32 to vector<16xi32>
      %parallel_loop3A_152 = arith.shrsi %parallel_loop3A_149, %parallel_loop3A_151 : vector<16xi32>
      %parallel_loop3A_153 = arith.constant -2147483648 : i32
      %parallel_loop3A_154 = vector.broadcast %parallel_loop3A_153 : i32 to vector<16xi32>
      %parallel_loop3A_155 = arith.ori %parallel_loop3A_152, %parallel_loop3A_154 : vector<16xi32>
      %parallel_loop3A_156 = arith.xori %parallel_loop3A_149, %parallel_loop3A_155 : vector<16xi32>
      %parallel_loop3A_157 = arith.shrui %parallel_loop3A_156, %broadcast_in_dim3A_9 : vector<16xi32>
      %parallel_loop3A_158 = arith.shrui %parallel_loop3A_156, %broadcast_in_dim3A_11 : vector<16xi32>
      %parallel_loop3A_159 = arith.andi %parallel_loop3A_158, %broadcast_in_dim3A_13 : vector<16xi32>
      tpu.vector_store_idx %arg6[%parallel_loop3A_157, %parallel_loop3A_159], %broadcast_in_dim3A_7 {add = true} : memref<128x128xi32, #tpu.memory_space<vmem>>[vector<16xi32>, vector<16xi32>], vector<16xi32>,
    } {sc.loop_unroll_factor = 1 : i64, sc.parallel_access}
    "tpu.region"() ({
      %run_scoped3A = tpu.sem_alloc : memref<!tpu.dma_semaphore, #tpu.memory_space<semaphore_mem>>
      %dma_start3A = arith.constant 999424 : i32
      %dma_start3A_23 = tpu.memref_slice %arg2[%dma_start3A] : memref<1000000xf32, #tpu.memory_space<hbm>> -> memref<576xf32, #tpu.memory_space<hbm>>
      %dma_start3A_24 = arith.constant 999424 : i32
      %dma_start3A_25 = tpu.memref_slice %arg2[%dma_start3A_24] : memref<1000000xf32, #tpu.memory_space<hbm>> -> memref<576xf32, #tpu.memory_space<hbm>>
      tpu.enqueue_dma source(%dma_start3A_25 : memref<576xf32, #tpu.memory_space<hbm>>) target(%arg5 : memref<576xf32, #tpu.memory_space<vmem>>) target_semaphore(%run_scoped3A : memref<!tpu.dma_semaphore, #tpu.memory_space<semaphore_mem>>)
      %dma_wait3A = arith.constant 999424 : i32
      %dma_wait3A_26 = tpu.memref_slice %arg2[%dma_wait3A] : memref<1000000xf32, #tpu.memory_space<hbm>> -> memref<576xf32, #tpu.memory_space<hbm>>
      %dma_wait3A_27 = arith.constant 999424 : i32
      %dma_wait3A_28 = tpu.memref_slice %arg2[%dma_wait3A_27] : memref<1000000xf32, #tpu.memory_space<hbm>> -> memref<576xf32, #tpu.memory_space<hbm>>
      tpu.wait_dma2 semaphore(%run_scoped3A : memref<!tpu.dma_semaphore, #tpu.memory_space<semaphore_mem>>) src(%dma_wait3A_28 : memref<576xf32, #tpu.memory_space<hbm>>) dst(%arg5 : memref<576xf32, #tpu.memory_space<vmem>>)
      tpu.yield
    }) : () -> ()
    %broadcast_in_dim3A_17 = vector.broadcast %add3A : i32 to vector<16xi32>
    %broadcast_in_dim3A_18 = arith.constant 31 : i32
    %broadcast_in_dim3A_19 = vector.broadcast %broadcast_in_dim3A_18 : i32 to vector<16xi32>
    %eq3A = arith.cmpi eq, %broadcast_in_dim3A_17, %broadcast_in_dim3A_19 : vector<16xi32>
    %parallel_loop3A_20 = arith.constant 0 : i32
    %parallel_loop3A_21 = arith.constant 36 : i32
    %parallel_loop3A_22 = arith.constant 4 : i32
    scf.for %parallel_loop3A_23 = %parallel_loop3A_20 to %parallel_loop3A_21 step %parallel_loop3A_22  : i32 {
      %parallel_loop3A_24 = arith.constant 0 : i32
      %parallel_loop3A_25 = arith.addi %parallel_loop3A_23, %parallel_loop3A_24 : i32
      %parallel_loop3A_26 = arith.constant 16 : i32
      %parallel_loop3A_27 = arith.muli %parallel_loop3A_25, %parallel_loop3A_26 : i32
      %parallel_loop3A_28 = arith.index_cast %parallel_loop3A_27 : i32 to index
      %parallel_loop3A_29 = tpu.vector_load %arg5[%parallel_loop3A_28] {strides = array<i32>} : memref<576xf32, #tpu.memory_space<vmem>>, vector<16xf32>,
      %parallel_loop3A_30 = tpu.bitcast %parallel_loop3A_29 : vector<16xf32> -> vector<16xi32>
      %parallel_loop3A_31 = arith.constant 31 : i32
      %parallel_loop3A_32 = vector.broadcast %parallel_loop3A_31 : i32 to vector<16xi32>
      %parallel_loop3A_33 = arith.shrsi %parallel_loop3A_30, %parallel_loop3A_32 : vector<16xi32>
      %parallel_loop3A_34 = arith.constant -2147483648 : i32
      %parallel_loop3A_35 = vector.broadcast %parallel_loop3A_34 : i32 to vector<16xi32>
      %parallel_loop3A_36 = arith.ori %parallel_loop3A_33, %parallel_loop3A_35 : vector<16xi32>
      %parallel_loop3A_37 = arith.xori %parallel_loop3A_30, %parallel_loop3A_36 : vector<16xi32>
      %parallel_loop3A_38 = arith.shrui %parallel_loop3A_37, %broadcast_in_dim3A_9 : vector<16xi32>
      %parallel_loop3A_39 = arith.shrui %parallel_loop3A_37, %broadcast_in_dim3A_11 : vector<16xi32>
      %parallel_loop3A_40 = arith.andi %parallel_loop3A_39, %broadcast_in_dim3A_13 : vector<16xi32>
      tpu.vector_store_idx %arg6[%parallel_loop3A_38, %parallel_loop3A_40], %broadcast_in_dim3A_7 masked %eq3A {add = true} : memref<128x128xi32, #tpu.memory_space<vmem>>[vector<16xi32>, vector<16xi32>], vector<16xi32>, vector<16xi1>
      %parallel_loop3A_41 = arith.constant 1 : i32
      %parallel_loop3A_42 = arith.addi %parallel_loop3A_23, %parallel_loop3A_41 : i32
      %parallel_loop3A_43 = arith.constant 16 : i32
      %parallel_loop3A_44 = arith.muli %parallel_loop3A_42, %parallel_loop3A_43 : i32
      %parallel_loop3A_45 = arith.index_cast %parallel_loop3A_44 : i32 to index
      %parallel_loop3A_46 = tpu.vector_load %arg5[%parallel_loop3A_45] {strides = array<i32>} : memref<576xf32, #tpu.memory_space<vmem>>, vector<16xf32>,
      %parallel_loop3A_47 = tpu.bitcast %parallel_loop3A_46 : vector<16xf32> -> vector<16xi32>
      %parallel_loop3A_48 = arith.constant 31 : i32
      %parallel_loop3A_49 = vector.broadcast %parallel_loop3A_48 : i32 to vector<16xi32>
      %parallel_loop3A_50 = arith.shrsi %parallel_loop3A_47, %parallel_loop3A_49 : vector<16xi32>
      %parallel_loop3A_51 = arith.constant -2147483648 : i32
      %parallel_loop3A_52 = vector.broadcast %parallel_loop3A_51 : i32 to vector<16xi32>
      %parallel_loop3A_53 = arith.ori %parallel_loop3A_50, %parallel_loop3A_52 : vector<16xi32>
      %parallel_loop3A_54 = arith.xori %parallel_loop3A_47, %parallel_loop3A_53 : vector<16xi32>
      %parallel_loop3A_55 = arith.shrui %parallel_loop3A_54, %broadcast_in_dim3A_9 : vector<16xi32>
      %parallel_loop3A_56 = arith.shrui %parallel_loop3A_54, %broadcast_in_dim3A_11 : vector<16xi32>
      %parallel_loop3A_57 = arith.andi %parallel_loop3A_56, %broadcast_in_dim3A_13 : vector<16xi32>
      tpu.vector_store_idx %arg6[%parallel_loop3A_55, %parallel_loop3A_57], %broadcast_in_dim3A_7 masked %eq3A {add = true} : memref<128x128xi32, #tpu.memory_space<vmem>>[vector<16xi32>, vector<16xi32>], vector<16xi32>, vector<16xi1>
      %parallel_loop3A_58 = arith.constant 2 : i32
      %parallel_loop3A_59 = arith.addi %parallel_loop3A_23, %parallel_loop3A_58 : i32
      %parallel_loop3A_60 = arith.constant 16 : i32
      %parallel_loop3A_61 = arith.muli %parallel_loop3A_59, %parallel_loop3A_60 : i32
      %parallel_loop3A_62 = arith.index_cast %parallel_loop3A_61 : i32 to index
      %parallel_loop3A_63 = tpu.vector_load %arg5[%parallel_loop3A_62] {strides = array<i32>} : memref<576xf32, #tpu.memory_space<vmem>>, vector<16xf32>,
      %parallel_loop3A_64 = tpu.bitcast %parallel_loop3A_63 : vector<16xf32> -> vector<16xi32>
      %parallel_loop3A_65 = arith.constant 31 : i32
      %parallel_loop3A_66 = vector.broadcast %parallel_loop3A_65 : i32 to vector<16xi32>
      %parallel_loop3A_67 = arith.shrsi %parallel_loop3A_64, %parallel_loop3A_66 : vector<16xi32>
      %parallel_loop3A_68 = arith.constant -2147483648 : i32
      %parallel_loop3A_69 = vector.broadcast %parallel_loop3A_68 : i32 to vector<16xi32>
      %parallel_loop3A_70 = arith.ori %parallel_loop3A_67, %parallel_loop3A_69 : vector<16xi32>
      %parallel_loop3A_71 = arith.xori %parallel_loop3A_64, %parallel_loop3A_70 : vector<16xi32>
      %parallel_loop3A_72 = arith.shrui %parallel_loop3A_71, %broadcast_in_dim3A_9 : vector<16xi32>
      %parallel_loop3A_73 = arith.shrui %parallel_loop3A_71, %broadcast_in_dim3A_11 : vector<16xi32>
      %parallel_loop3A_74 = arith.andi %parallel_loop3A_73, %broadcast_in_dim3A_13 : vector<16xi32>
      tpu.vector_store_idx %arg6[%parallel_loop3A_72, %parallel_loop3A_74], %broadcast_in_dim3A_7 masked %eq3A {add = true} : memref<128x128xi32, #tpu.memory_space<vmem>>[vector<16xi32>, vector<16xi32>], vector<16xi32>, vector<16xi1>
      %parallel_loop3A_75 = arith.constant 3 : i32
      %parallel_loop3A_76 = arith.addi %parallel_loop3A_23, %parallel_loop3A_75 : i32
      %parallel_loop3A_77 = arith.constant 16 : i32
      %parallel_loop3A_78 = arith.muli %parallel_loop3A_76, %parallel_loop3A_77 : i32
      %parallel_loop3A_79 = arith.index_cast %parallel_loop3A_78 : i32 to index
      %parallel_loop3A_80 = tpu.vector_load %arg5[%parallel_loop3A_79] {strides = array<i32>} : memref<576xf32, #tpu.memory_space<vmem>>, vector<16xf32>,
      %parallel_loop3A_81 = tpu.bitcast %parallel_loop3A_80 : vector<16xf32> -> vector<16xi32>
      %parallel_loop3A_82 = arith.constant 31 : i32
      %parallel_loop3A_83 = vector.broadcast %parallel_loop3A_82 : i32 to vector<16xi32>
      %parallel_loop3A_84 = arith.shrsi %parallel_loop3A_81, %parallel_loop3A_83 : vector<16xi32>
      %parallel_loop3A_85 = arith.constant -2147483648 : i32
      %parallel_loop3A_86 = vector.broadcast %parallel_loop3A_85 : i32 to vector<16xi32>
      %parallel_loop3A_87 = arith.ori %parallel_loop3A_84, %parallel_loop3A_86 : vector<16xi32>
      %parallel_loop3A_88 = arith.xori %parallel_loop3A_81, %parallel_loop3A_87 : vector<16xi32>
      %parallel_loop3A_89 = arith.shrui %parallel_loop3A_88, %broadcast_in_dim3A_9 : vector<16xi32>
      %parallel_loop3A_90 = arith.shrui %parallel_loop3A_88, %broadcast_in_dim3A_11 : vector<16xi32>
      %parallel_loop3A_91 = arith.andi %parallel_loop3A_90, %broadcast_in_dim3A_13 : vector<16xi32>
      tpu.vector_store_idx %arg6[%parallel_loop3A_89, %parallel_loop3A_91], %broadcast_in_dim3A_7 masked %eq3A {add = true} : memref<128x128xi32, #tpu.memory_space<vmem>>[vector<16xi32>, vector<16xi32>], vector<16xi32>, vector<16xi1>
    } {sc.loop_unroll_factor = 1 : i64, sc.parallel_access}
    "tpu.region"() ({
      %run_scoped3A = tpu.sem_alloc : memref<!tpu.dma_semaphore, #tpu.memory_space<semaphore_mem>>
      %dma_start3A = arith.constant 0 : i32
      %dma_start3A_23 = arith.constant 0 : i32
      %dma_start3A_24 = tpu.memref_slice %arg3[%add3A, %dma_start3A, %dma_start3A_23] : memref<32x128x128xi32, #tpu.memory_space<hbm>> -> memref<1x128x128xi32, #tpu.memory_space<hbm>>
      %dma_start3A_25 = tpu.memref_squeeze %dma_start3A_24 : memref<1x128x128xi32, #tpu.memory_space<hbm>> -> memref<128x128xi32, #tpu.memory_space<hbm>>
      %dma_start3A_26 = arith.constant 0 : i32
      %dma_start3A_27 = arith.constant 0 : i32
      %dma_start3A_28 = tpu.memref_slice %arg3[%add3A, %dma_start3A_26, %dma_start3A_27] : memref<32x128x128xi32, #tpu.memory_space<hbm>> -> memref<1x128x128xi32, #tpu.memory_space<hbm>>
      %dma_start3A_29 = tpu.memref_squeeze %dma_start3A_28 : memref<1x128x128xi32, #tpu.memory_space<hbm>> -> memref<128x128xi32, #tpu.memory_space<hbm>>
      tpu.enqueue_dma source(%arg6 : memref<128x128xi32, #tpu.memory_space<vmem>>) target(%dma_start3A_29 : memref<128x128xi32, #tpu.memory_space<hbm>>) target_semaphore(%run_scoped3A : memref<!tpu.dma_semaphore, #tpu.memory_space<semaphore_mem>>)
      %dma_wait3A = arith.constant 0 : i32
      %dma_wait3A_30 = arith.constant 0 : i32
      %dma_wait3A_31 = tpu.memref_slice %arg3[%add3A, %dma_wait3A, %dma_wait3A_30] : memref<32x128x128xi32, #tpu.memory_space<hbm>> -> memref<1x128x128xi32, #tpu.memory_space<hbm>>
      %dma_wait3A_32 = tpu.memref_squeeze %dma_wait3A_31 : memref<1x128x128xi32, #tpu.memory_space<hbm>> -> memref<128x128xi32, #tpu.memory_space<hbm>>
      %dma_wait3A_33 = arith.constant 0 : i32
      %dma_wait3A_34 = arith.constant 0 : i32
      %dma_wait3A_35 = tpu.memref_slice %arg3[%add3A, %dma_wait3A_33, %dma_wait3A_34] : memref<32x128x128xi32, #tpu.memory_space<hbm>> -> memref<1x128x128xi32, #tpu.memory_space<hbm>>
      %dma_wait3A_36 = tpu.memref_squeeze %dma_wait3A_35 : memref<1x128x128xi32, #tpu.memory_space<hbm>> -> memref<128x128xi32, #tpu.memory_space<hbm>>
      tpu.wait_dma2 semaphore(%run_scoped3A : memref<!tpu.dma_semaphore, #tpu.memory_space<semaphore_mem>>) src(%arg6 : memref<128x128xi32, #tpu.memory_space<vmem>>) dst(%dma_wait3A_36 : memref<128x128xi32, #tpu.memory_space<hbm>>)
      tpu.yield
    }) : () -> ()
    return
  }
}

module attributes {stable_mosaic.version = 14 : i64} {
  func.func @_tc_final_body(%arg0: i32, %arg1: memref<32x128x128xi32, #tpu.memory_space<vmem>>, %arg2: memref<8x15625xf32, #tpu.memory_space<vmem>>, %arg3: memref<8x15625xf32, #tpu.memory_space<vmem>>, %arg4: memref<1x1xf32, #tpu.memory_space<vmem>>, %arg5: memref<8xf32, #tpu.memory_space<smem>>) attributes {dimension_semantics = [#tpu.dimension_semantics<arbitrary>], iteration_bounds = array<i64: 8>, scalar_prefetch = 0 : i64, scratch_operands = 1 : i64, tpu.core_type = #tpu.core_type<tc>, window_params = [{pipeline_mode = #tpu.pipeline_mode<synchronous>, transform_indices = @transform_0, window_bounds = array<i64: 32, 128, 128>}, {transform_indices = @transform_1, window_bounds = array<i64: 8, 15625>}, {transform_indices = @transform_2, window_bounds = array<i64: 8, 15625>}, {pipeline_mode = #tpu.pipeline_mode<synchronous>, transform_indices = @transform_3, window_bounds = array<i64: 1, 1>}]} {
    %eq3A = arith.constant 0 : i32
    %eq3A_0 = arith.cmpi eq, %arg0, %eq3A : i32
    %convert_element_type3A = arith.extui %eq3A_0 : i1 to i32
    %cond3A = arith.constant 0 : i32
    %cond3A_1 = arith.cmpi ne, %convert_element_type3A, %cond3A : i32
    scf.if %cond3A_1 {
      %get3A_49 = arith.constant 0 : index
      %get3A_50 = arith.constant 0 : index
      %get3A_51 = arith.constant 0 : index
      %get3A_52 = vector.load %arg1[%get3A_49, %get3A_50, %get3A_51] : memref<32x128x128xi32, #tpu.memory_space<vmem>>, vector<32x128x128xi32>
      %reduce_sum3A_53 = arith.constant dense<0> : vector<128x128xi32>
      %reduce_sum3A_54 = vector.multi_reduction <add>, %get3A_52, %reduce_sum3A_53 [0] : vector<32x128x128xi32> to vector<128x128xi32>
      %convert_element_type3A_55 = arith.sitofp %reduce_sum3A_54 : vector<128x128xi32> to vector<128x128xf32>
      %iota3A = tpu.iota {dimensions = array<i32: 0>} : vector<128x128xi32>
      %iota3A_56 = tpu.iota {dimensions = array<i32: 1>} : vector<128x128xi32>
      %ge3A_57 = arith.cmpi sge, %iota3A, %iota3A_56 : vector<128x128xi32>
      %convert_element_type3A_58 = arith.extui %ge3A_57 : vector<128x128xi1> to vector<128x128xi32>
      %convert_element_type3A_59 = arith.sitofp %convert_element_type3A_58 : vector<128x128xi32> to vector<128x128xf32>
      %dot_general3A = arith.constant dense<0.000000e+00> : vector<128x128xf32>
      %dot_general3A_60 = tpu.matmul %convert_element_type3A_55, %convert_element_type3A_59, %dot_general3A {dimension_numbers = #tpu.dot_dimension_numbers<[1], [0], [0], [1], [0, 0, 1, 1], [], []>, transpose_lhs_hint = false} : vector<128x128xf32>, vector<128x128xf32>, vector<128x128xf32> -> vector<128x128xf32>
      %gt3A = arith.cmpi sgt, %iota3A_56, %iota3A : vector<128x128xi32>
      %convert_element_type3A_61 = arith.extui %gt3A : vector<128x128xi1> to vector<128x128xi32>
      %convert_element_type3A_62 = arith.sitofp %convert_element_type3A_61 : vector<128x128xi32> to vector<128x128xf32>
      %slice3A = vector.extract_strided_slice %dot_general3A_60 {offsets = [0, 0], sizes = [128, 1], strides = [1, 1]} : vector<128x128xf32> to vector<128x1xf32>
      %dot_general3A_63 = arith.constant dense<0.000000e+00> : vector<128x1xf32>
      %dot_general3A_64 = tpu.matmul %convert_element_type3A_62, %slice3A, %dot_general3A_63 {dimension_numbers = #tpu.dot_dimension_numbers<[1], [0], [0], [1], [0, 0, 1, 1], [], []>, transpose_lhs_hint = false} : vector<128x128xf32>, vector<128x1xf32>, vector<128x1xf32> -> vector<128x1xf32>
      %add3A_65 = vector.broadcast %dot_general3A_64 : vector<128x1xf32> to vector<128x128xf32>
      %add3A_66 = arith.addf %add3A_65, %dot_general3A_60 : vector<128x128xf32>
      %ge3A_67 = arith.constant 1.000000e+05 : f32
      %ge3A_68 = vector.broadcast %ge3A_67 : f32 to vector<128x128xf32>
      %ge3A_69 = arith.cmpf oge, %add3A_66, %ge3A_68 : vector<128x128xf32>
      %convert_element_type3A_70 = arith.extui %ge3A_69 : vector<128x128xi1> to vector<128x128xi32>
      %reduce_sum3A_71 = vector.shape_cast %convert_element_type3A_70 : vector<128x128xi32> to vector<1x128x128xi32>
      %reduce_sum3A_72 = arith.constant dense<0> : vector<1xi32>
      %reduce_sum3A_73 = vector.multi_reduction <add>, %reduce_sum3A_71, %reduce_sum3A_72 [1, 2] : vector<1x128x128xi32> to vector<1xi32>
      %reduce_sum3A_74 = vector.shape_cast %reduce_sum3A_73 : vector<1xi32> to vector<1x1x1xi32>
      %reduce_sum3A_75 = vector.extract %reduce_sum3A_74[0, 0, 0] : i32 from vector<1x1x1xi32>
      %sub3A_76 = arith.constant 1 : i32
      %sub3A_77 = arith.subi %reduce_sum3A_75, %sub3A_76 : i32
      %mul3A_78 = arith.constant 128 : i32
      %mul3A_79 = vector.broadcast %mul3A_78 : i32 to vector<128x128xi32>
      %mul3A_80 = arith.muli %iota3A, %mul3A_79 : vector<128x128xi32>
      %add3A_81 = arith.addi %mul3A_80, %iota3A_56 : vector<128x128xi32>
      %eq3A_82 = vector.broadcast %sub3A_77 : i32 to vector<128x128xi32>
      %eq3A_83 = arith.cmpi eq, %add3A_81, %eq3A_82 : vector<128x128xi32>
      %convert_element_type3A_84 = arith.extui %eq3A_83 : vector<128x128xi1> to vector<128x128xi32>
      %convert_element_type3A_85 = arith.sitofp %convert_element_type3A_84 : vector<128x128xi32> to vector<128x128xf32>
      %mul3A_86 = arith.mulf %convert_element_type3A_55, %convert_element_type3A_85 : vector<128x128xf32>
      %reduce_sum3A_87 = vector.shape_cast %mul3A_86 : vector<128x128xf32> to vector<1x128x128xf32>
      %reduce_sum3A_88 = arith.constant dense<0.000000e+00> : vector<1xf32>
      %reduce_sum3A_89 = vector.multi_reduction <add>, %reduce_sum3A_87, %reduce_sum3A_88 [1, 2] : vector<1x128x128xf32> to vector<1xf32>
      %reduce_sum3A_90 = vector.shape_cast %reduce_sum3A_89 : vector<1xf32> to vector<1x1x1xf32>
      %reduce_sum3A_91 = vector.extract %reduce_sum3A_90[0, 0, 0] : f32 from vector<1x1x1xf32>
      %mul3A_92 = arith.mulf %add3A_66, %convert_element_type3A_85 : vector<128x128xf32>
      %reduce_sum3A_93 = vector.shape_cast %mul3A_92 : vector<128x128xf32> to vector<1x128x128xf32>
      %reduce_sum3A_94 = arith.constant dense<0.000000e+00> : vector<1xf32>
      %reduce_sum3A_95 = vector.multi_reduction <add>, %reduce_sum3A_93, %reduce_sum3A_94 [1, 2] : vector<1x128x128xf32> to vector<1xf32>
      %reduce_sum3A_96 = vector.shape_cast %reduce_sum3A_95 : vector<1xf32> to vector<1x1x1xf32>
      %reduce_sum3A_97 = vector.extract %reduce_sum3A_96[0, 0, 0] : f32 from vector<1x1x1xf32>
      %sub3A_98 = arith.subf %reduce_sum3A_97, %reduce_sum3A_91 : f32
      %shift_left3A = arith.constant 18 : i32
      %shift_left3A_99 = arith.shli %sub3A_77, %shift_left3A : i32
      %lt3A = arith.constant 0 : i32
      %lt3A_100 = arith.cmpi slt, %shift_left3A_99, %lt3A : i32
      %xor3A = arith.constant -2147483648 : i32
      %xor3A_101 = arith.xori %shift_left3A_99, %xor3A : i32
      %not3A = arith.constant -1 : i32
      %not3A_102 = arith.xori %shift_left3A_99, %not3A : i32
      %select_n3A_103 = arith.select %lt3A_100, %xor3A_101, %not3A_102 : i32
      %bitcast_convert_type3A = arith.bitcast %select_n3A_103 : i32 to f32
      %swap3A_104 = arith.constant 0 : index
      %swap3A_105 = memref.load %arg5[%swap3A_104] : memref<8xf32, #tpu.memory_space<smem>>
      memref.store %bitcast_convert_type3A, %arg5[%swap3A_104] : memref<8xf32, #tpu.memory_space<smem>>
      %add3A_106 = arith.constant 1 : i32
      %add3A_107 = arith.addi %sub3A_77, %add3A_106 : i32
      %shift_left3A_108 = arith.constant 18 : i32
      %shift_left3A_109 = arith.shli %add3A_107, %shift_left3A_108 : i32
      %lt3A_110 = arith.constant 0 : i32
      %lt3A_111 = arith.cmpi slt, %shift_left3A_109, %lt3A_110 : i32
      %xor3A_112 = arith.constant -2147483648 : i32
      %xor3A_113 = arith.xori %shift_left3A_109, %xor3A_112 : i32
      %not3A_114 = arith.constant -1 : i32
      %not3A_115 = arith.xori %shift_left3A_109, %not3A_114 : i32
      %select_n3A_116 = arith.select %lt3A_111, %xor3A_113, %not3A_115 : i32
      %bitcast_convert_type3A_117 = arith.bitcast %select_n3A_116 : i32 to f32
      %swap3A_118 = arith.constant 1 : index
      %swap3A_119 = memref.load %arg5[%swap3A_118] : memref<8xf32, #tpu.memory_space<smem>>
      memref.store %bitcast_convert_type3A_117, %arg5[%swap3A_118] : memref<8xf32, #tpu.memory_space<smem>>
      %swap3A_120 = arith.constant 2 : index
      %swap3A_121 = memref.load %arg5[%swap3A_120] : memref<8xf32, #tpu.memory_space<smem>>
      memref.store %reduce_sum3A_91, %arg5[%swap3A_120] : memref<8xf32, #tpu.memory_space<smem>>
      %swap3A_122 = arith.constant 3 : index
      %swap3A_123 = memref.load %arg5[%swap3A_122] : memref<8xf32, #tpu.memory_space<smem>>
      memref.store %sub3A_98, %arg5[%swap3A_122] : memref<8xf32, #tpu.memory_space<smem>>
      %swap3A_124 = arith.constant 0.000000e+00 : f32
      %swap3A_125 = arith.constant 4 : index
      %swap3A_126 = memref.load %arg5[%swap3A_125] : memref<8xf32, #tpu.memory_space<smem>>
      memref.store %swap3A_124, %arg5[%swap3A_125] : memref<8xf32, #tpu.memory_space<smem>>
      %swap3A_127 = arith.constant 0.000000e+00 : f32
      %swap3A_128 = arith.constant 5 : index
      %swap3A_129 = memref.load %arg5[%swap3A_128] : memref<8xf32, #tpu.memory_space<smem>>
      memref.store %swap3A_127, %arg5[%swap3A_128] : memref<8xf32, #tpu.memory_space<smem>>
      %swap3A_130 = arith.constant 0.000000e+00 : f32
      %swap3A_131 = arith.constant 6 : index
      %swap3A_132 = memref.load %arg5[%swap3A_131] : memref<8xf32, #tpu.memory_space<smem>>
      memref.store %swap3A_130, %arg5[%swap3A_131] : memref<8xf32, #tpu.memory_space<smem>>
    } else {
    }
    %get3A = arith.constant 0 : index
    %get3A_2 = memref.load %arg5[%get3A] : memref<8xf32, #tpu.memory_space<smem>>
    %get3A_3 = arith.constant 1 : index
    %get3A_4 = memref.load %arg5[%get3A_3] : memref<8xf32, #tpu.memory_space<smem>>
    %get3A_5 = arith.constant 0 : index
    %get3A_6 = arith.constant 0 : index
    %get3A_7 = vector.load %arg2[%get3A_5, %get3A_6] : memref<8x15625xf32, #tpu.memory_space<vmem>>, vector<8x15625xf32>
    %get3A_8 = arith.constant 0 : index
    %get3A_9 = arith.constant 0 : index
    %get3A_10 = vector.load %arg3[%get3A_8, %get3A_9] : memref<8x15625xf32, #tpu.memory_space<vmem>>, vector<8x15625xf32>
    %sub3A = arith.subf %get3A_7, %get3A_10 : vector<8x15625xf32>
    %mul3A = arith.mulf %sub3A, %sub3A : vector<8x15625xf32>
    %get3A_11 = arith.constant 4 : index
    %get3A_12 = memref.load %arg5[%get3A_11] : memref<8xf32, #tpu.memory_space<smem>>
    %reduce_sum3A = vector.shape_cast %mul3A : vector<8x15625xf32> to vector<1x8x15625xf32>
    %reduce_sum3A_13 = arith.constant dense<0.000000e+00> : vector<1xf32>
    %reduce_sum3A_14 = vector.multi_reduction <add>, %reduce_sum3A, %reduce_sum3A_13 [1, 2] : vector<1x8x15625xf32> to vector<1xf32>
    %reduce_sum3A_15 = vector.shape_cast %reduce_sum3A_14 : vector<1xf32> to vector<1x1x1xf32>
    %reduce_sum3A_16 = vector.extract %reduce_sum3A_15[0, 0, 0] : f32 from vector<1x1x1xf32>
    %add3A = arith.addf %get3A_12, %reduce_sum3A_16 : f32
    %swap3A = arith.constant 4 : index
    %swap3A_17 = memref.load %arg5[%swap3A] : memref<8xf32, #tpu.memory_space<smem>>
    memref.store %add3A, %arg5[%swap3A] : memref<8xf32, #tpu.memory_space<smem>>
    %get3A_18 = arith.constant 5 : index
    %get3A_19 = memref.load %arg5[%get3A_18] : memref<8xf32, #tpu.memory_space<smem>>
    %ge3A = vector.broadcast %get3A_4 : f32 to vector<8x15625xf32>
    %ge3A_20 = arith.cmpf oge, %get3A_7, %ge3A : vector<8x15625xf32>
    %jit3A = arith.constant 0.000000e+00 : f32
    %broadcast_in_dim3A = vector.broadcast %jit3A : f32 to vector<8x15625xf32>
    %select_n3A = arith.select %ge3A_20, %mul3A, %broadcast_in_dim3A : vector<8x15625xi1>, vector<8x15625xf32>
    %reduce_sum3A_21 = vector.shape_cast %select_n3A : vector<8x15625xf32> to vector<1x8x15625xf32>
    %reduce_sum3A_22 = arith.constant dense<0.000000e+00> : vector<1xf32>
    %reduce_sum3A_23 = vector.multi_reduction <add>, %reduce_sum3A_21, %reduce_sum3A_22 [1, 2] : vector<1x8x15625xf32> to vector<1xf32>
    %reduce_sum3A_24 = vector.shape_cast %reduce_sum3A_23 : vector<1xf32> to vector<1x1x1xf32>
    %reduce_sum3A_25 = vector.extract %reduce_sum3A_24[0, 0, 0] : f32 from vector<1x1x1xf32>
    %add3A_26 = arith.addf %get3A_19, %reduce_sum3A_25 : f32
    %swap3A_27 = arith.constant 5 : index
    %swap3A_28 = memref.load %arg5[%swap3A_27] : memref<8xf32, #tpu.memory_space<smem>>
    memref.store %add3A_26, %arg5[%swap3A_27] : memref<8xf32, #tpu.memory_space<smem>>
    %get3A_29 = arith.constant 6 : index
    %get3A_30 = memref.load %arg5[%get3A_29] : memref<8xf32, #tpu.memory_space<smem>>
    %ge3A_31 = vector.broadcast %get3A_2 : f32 to vector<8x15625xf32>
    %ge3A_32 = arith.cmpf oge, %get3A_7, %ge3A_31 : vector<8x15625xf32>
    %jit3A_33 = arith.constant 0.000000e+00 : f32
    %broadcast_in_dim3A_34 = vector.broadcast %jit3A_33 : f32 to vector<8x15625xf32>
    %select_n3A_35 = arith.select %ge3A_32, %mul3A, %broadcast_in_dim3A_34 : vector<8x15625xi1>, vector<8x15625xf32>
    %reduce_sum3A_36 = vector.shape_cast %select_n3A_35 : vector<8x15625xf32> to vector<1x8x15625xf32>
    %reduce_sum3A_37 = arith.constant dense<0.000000e+00> : vector<1xf32>
    %reduce_sum3A_38 = vector.multi_reduction <add>, %reduce_sum3A_36, %reduce_sum3A_37 [1, 2] : vector<1x8x15625xf32> to vector<1xf32>
    %reduce_sum3A_39 = vector.shape_cast %reduce_sum3A_38 : vector<1xf32> to vector<1x1x1xf32>
    %reduce_sum3A_40 = vector.extract %reduce_sum3A_39[0, 0, 0] : f32 from vector<1x1x1xf32>
    %add3A_41 = arith.addf %get3A_30, %reduce_sum3A_40 : f32
    %swap3A_42 = arith.constant 6 : index
    %swap3A_43 = memref.load %arg5[%swap3A_42] : memref<8xf32, #tpu.memory_space<smem>>
    memref.store %add3A_41, %arg5[%swap3A_42] : memref<8xf32, #tpu.memory_space<smem>>
    %eq3A_44 = arith.constant 7 : i32
    %eq3A_45 = arith.cmpi eq, %arg0, %eq3A_44 : i32
    %convert_element_type3A_46 = arith.extui %eq3A_45 : i1 to i32
    %cond3A_47 = arith.constant 0 : i32
    %cond3A_48 = arith.cmpi ne, %convert_element_type3A_46, %cond3A_47 : i32
    scf.if %cond3A_48 {
      %get3A_49 = arith.constant 4 : index
      %get3A_50 = memref.load %arg5[%get3A_49] : memref<8xf32, #tpu.memory_space<smem>>
      %get3A_51 = arith.constant 5 : index
      %get3A_52 = memref.load %arg5[%get3A_51] : memref<8xf32, #tpu.memory_space<smem>>
      %get3A_53 = arith.constant 6 : index
      %get3A_54 = memref.load %arg5[%get3A_53] : memref<8xf32, #tpu.memory_space<smem>>
      %get3A_55 = arith.constant 3 : index
      %get3A_56 = memref.load %arg5[%get3A_55] : memref<8xf32, #tpu.memory_space<smem>>
      %sub3A_57 = arith.constant 1.000000e+05 : f32
      %sub3A_58 = arith.subf %sub3A_57, %get3A_56 : f32
      %get3A_59 = arith.constant 2 : index
      %get3A_60 = memref.load %arg5[%get3A_59] : memref<8xf32, #tpu.memory_space<smem>>
      %max3A = arith.constant 1.000000e+00 : f32
      %max3A_61 = arith.maximumf %get3A_60, %max3A : f32
      %div3A = arith.divf %sub3A_58, %max3A_61 : f32
      %sub3A_62 = arith.subf %get3A_54, %get3A_52 : f32
      %mul3A_63 = arith.mulf %div3A, %sub3A_62 : f32
      %add3A_64 = arith.addf %get3A_52, %mul3A_63 : f32
      %mul3A_65 = arith.constant 4.000000e+00 : f32
      %mul3A_66 = arith.mulf %mul3A_65, %add3A_64 : f32
      %add3A_67 = arith.addf %get3A_50, %mul3A_66 : f32
      %div3A_68 = arith.constant 1.000000e+06 : f32
      %div3A_69 = arith.divf %add3A_67, %div3A_68 : f32
      %broadcast_in_dim3A_70 = vector.broadcast %div3A_69 : f32 to vector<1x1xf32>
      %swap3A_71 = arith.constant 0 : index
      %swap3A_72 = arith.constant 0 : index
      %swap3A_73 = vector.load %arg4[%swap3A_71, %swap3A_72] : memref<1x1xf32, #tpu.memory_space<vmem>>, vector<1x1xf32>
      tpu.vector_store %arg4[%swap3A_71, %swap3A_72], %broadcast_in_dim3A_70 {strides = array<i32>} : memref<1x1xf32, #tpu.memory_space<vmem>>, vector<1x1xf32>,
    } else {
    }
    return
  }
  func.func @transform_0(%arg0: i32) -> (i32, i32, i32) {
    %c0_i32 = arith.constant 0 : i32
    %c0_i32_0 = arith.constant 0 : i32
    %c0_i32_1 = arith.constant 0 : i32
    %c0_i32_2 = arith.constant 0 : i32
    return %c0_i32, %c0_i32_0, %c0_i32_1 : i32, i32, i32
  }
  func.func @transform_1(%arg0: i32) -> (i32, i32) {
    %c0_i32 = arith.constant 0 : i32
    %c0_i32_0 = arith.constant 0 : i32
    return %arg0, %c0_i32 : i32, i32
  }
  func.func @transform_2(%arg0: i32) -> (i32, i32) {
    %c0_i32 = arith.constant 0 : i32
    %c0_i32_0 = arith.constant 0 : i32
    return %arg0, %c0_i32 : i32, i32
  }
  func.func @transform_3(%arg0: i32) -> (i32, i32) {
    %c0_i32 = arith.constant 0 : i32
    %c0_i32_0 = arith.constant 0 : i32
    %c0_i32_1 = arith.constant 0 : i32
    return %c0_i32, %c0_i32_0 : i32, i32
  }
}

</mosaic_0001>

<sc_bundles>
// kernel: kernel.4.cloned.1.call-start
scs
__scs_entry_jumppad:
0x0: {  	(pc) =	sbr.rel $0x88, $3  }
0x1: {  	(tag) =	ssettag $0x0;
	lr =	simm.s32 $0x1  }
0x2: {  	[smem:$0x3F9F] =	sst lr;
	_ =	strace $0xD0000000  }
0x3: {  	_ = 	snop  }
0x4: {  	_ = 	snop  }
0x5: {  	_ = 	snop  }
0x6: {  	_ = 	snop  }
0x7: {  	_ = 	snop  }
__scs_overlays_trampoline_lowered:
0x8: {  	[smem:$0x3FAE] =	sst s0  }
0x9: {  	[smem:$0x3FAF] =	sst s1  }
0xa: {  	[smem:$0x3FB0] =	sst s2  }
0xb: {  	[smem:$0x3FB1] =	sst s3  }
0xc: {  	[smem:$0x3FB2] =	sst s4  }
0xd: {  	[smem:$0x3FB3] =	sst s5  }
0xe: {  	[smem:$0x3FB4] =	sst s6  }
0xf: {  	[smem:$0x3FB5] =	sst s7  }
0x10: {  	[smem:$0x3FB6] =	sst s8  }
0x11: {  	[smem:$0x3FB7] =	sst s9;
	s0 =	simm.s32 @!p0 $0x0  }
0x12: {  	s1 =	sld [smem:$0x3F9D];
	s0 =	simm.s32 @p0 $0x1  }
0x13: {  	[smem:$0x3FB8] =	sst s0;
	s0 =	simm.s32 @!p1 $0x0  }
0x14: {  	s2 =	sld [smem:$0x3F9C];
	s0 =	simm.s32 @p1 $0x1  }
0x15: {  	[smem:$0x3FB9] =	sst s0;
	s0 =	simm.s32 @!p2 $0x0  }
0x16: {  	s3 =	sld [smem:$0x3FDB];
	s0 =	simm.s32 @p2 $0x1  }
0x17: {  	s4 =	simm.s32 $0x1BF5;
	[smem:$0x3FBB] =	sst s0  }
0x18: {  	s0 =	sld [smem:$0x3F9E];
	_ =	swait.ge [sflag:s4], $0x0  }
0x19: {  	s7 =	sld [smem:$0x3F9F]  }
0x1a: {  	s8 =	sadd.s32 $0xFFFFE003, lr  }
0x1b: {  	s9 =	sadd.s32 $0xFFFFFEF7, lr;
	s5 =	simm.s32 $0xFFFFFFFF;
	p2 =	slt.u32 s8, $0xFFFFF086  }
0x1c: {  	p1 =	slt.u32 s9, $0xF7A;
	s5 =	simm.s32 @!p2 $0x0  }
0x1d: {  	s5 =	simm.s32 @p1 $0x1;
	p0 =	seq.s32 s7, s2  }
0x1e: {  	s7 =	smul.u32 @!p0 $0xF7A, s2;
	p2 =	seq.s32 @!p0 s5, $0x0  }
0x1f: {  	s9 =	smul.u32 $0xF7A, s1;
	s8 =	simm.s32 @!p0 $0x1BF5;
	p2 =	por !p2, p0  }
0x20: {  	[sflag:s8] =	ssyncset.s32 @!p0 $0xFFFFF086;
	s6 =	sadd.s32 @!p0 s3, s7;
	s7 =	simm.s32 @!p0 $0x108  }
0x21: {  	s3 =	sadd.s32 s3, s9;
	s6 =	sadd.s32 @!p0 $0x88, s6;
	s7 =	simm.s32 @p2 $0x1082  }
0x22: {  	[simem:s7], [sflag:s8] =	dma.local @!p0 [hbm:s6], $0xF7A  }
0x23: {  	s9 =	sor.u32 $0xD0000000, s2;
	s6 =	simm.s32 $0x108;
	_ =	swait.ge @!p0 [sflag:s8], $0x0  }
0x24: {  	s3 =	sadd.s32 $0x88, s3;
	s6 =	simm.s32 @!p1 $0x1082;
	[sflag:s4] =	ssyncset.s32 $0xFFFFF086  }
0x25: {  	[simem:s6], [sflag:s4] =	dma.local [hbm:s3], $0xF7A  }
0x26: {  	[smem:$0x3F9F] =	sst s1;
	(tag) =	ssettag s2;
	_ =	strace s9  }
0x27: {  	s1 =	sld [smem:$0x3FAF]  }
0x28: {  	s2 =	sld [smem:$0x3FB0]  }
0x29: {  	s4 =	sld [smem:$0x3FB2]  }
0x2a: {  	p0 =	seq.s32 s5, $0x0;
	s5 =	sld [smem:$0x3FB3]  }
0x2b: {  	s6 =	sld [smem:$0x3FB4]  }
0x2c: {  	s7 =	sld [smem:$0x3FB5]  }
0x2d: {  	s3 =	simm.s32 $0x108;
	s8 =	sld [smem:$0x3FB6]  }
0x2e: {  	s3 =	simm.s32 @!p0 $0x1082;
	s9 =	sld [smem:$0x3FB7]  }
0x2f: {  	lr =	sadd.s32 s0, s3;
	s0 =	sld [smem:$0x3FAE]  }
0x30: {  	s3 =	sld [smem:$0x3FB1]  }
0x31: {  	[smem:$0x3FBA] =	sst s10  }
0x32: {  	s10 =	sld [smem:$0x3FB8];
	_ =	sdelay $0x3  }
0x33: {  	p0 =	seq.s32 s10, $0x1;
	s10 =	sld [smem:$0x3FBA];
	_ =	sdelay $0x3  }
0x34: {  	[smem:$0x3FBA] =	sst s10  }
0x35: {  	s10 =	sld [smem:$0x3FB9];
	_ =	sdelay $0x3  }
0x36: {  	p1 =	seq.s32 s10, $0x1;
	s10 =	sld [smem:$0x3FBA];
	_ =	sdelay $0x3  }
0x37: {  	[smem:$0x3FBA] =	sst s10  }
0x38: {  	s10 =	sld [smem:$0x3FBB]  }
0x39: {  	_ = 	snop;
	(pc) =	sbr.ind lr, $3  }
0x3a: {  	_ = 	snop  }
0x3b: {  	_ = 	snop  }
0x3c: {  	p2 =	seq.s32 s10, $0x1;
	s10 =	sld [smem:$0x3FBA]  }
0x3d: {  	_ =	shalt  }
0x3e: {  	_ =	shalt  }
0x3f: {  	_ =	shalt  }
0x40: {  	_ =	shalt  }
0x41: {  	_ =	shalt  }
0x42: {  	_ =	shalt  }
0x43: {  	_ =	shalt  }
0x44: {  	_ =	shalt  }
0x45: {  	_ =	shalt  }
0x46: {  	_ =	shalt  }
0x47: {  	_ =	shalt  }
0x48: {  	_ =	shalt  }
0x49: {  	_ =	shalt  }
0x4a: {  	_ =	shalt  }
0x4b: {  	_ =	shalt  }
0x4c: {  	_ =	shalt  }
0x4d: {  	_ =	shalt  }
0x4e: {  	_ =	shalt  }
0x4f: {  	_ =	shalt  }
0x50: {  	_ =	shalt  }
0x51: {  	_ =	shalt  }
0x52: {  	_ =	shalt  }
0x53: {  	_ =	shalt  }
0x54: {  	_ =	shalt  }
0x55: {  	_ =	shalt  }
0x56: {  	_ =	shalt  }
0x57: {  	_ =	shalt  }
0x58: {  	_ =	shalt  }
0x59: {  	_ =	shalt  }
0x5a: {  	_ =	shalt  }
0x5b: {  	_ =	shalt  }
0x5c: {  	_ =	shalt  }
0x5d: {  	_ =	shalt  }
0x5e: {  	_ =	shalt  }
0x5f: {  	_ =	shalt  }
0x60: {  	_ =	shalt  }
0x61: {  	_ =	shalt  }
0x62: {  	_ =	shalt  }
0x63: {  	_ =	shalt  }
0x64: {  	_ =	shalt  }
0x65: {  	_ =	shalt  }
0x66: {  	_ =	shalt  }
0x67: {  	_ =	shalt  }
0x68: {  	_ =	shalt  }
0x69: {  	_ =	shalt  }
0x6a: {  	_ =	shalt  }
0x6b: {  	_ =	shalt  }
0x6c: {  	_ =	shalt  }
0x6d: {  	_ =	shalt  }
0x6e: {  	_ =	shalt  }
0x6f: {  	_ =	shalt  }
0x70: {  	_ =	shalt  }
0x71: {  	_ =	shalt  }
0x72: {  	_ =	shalt  }
0x73: {  	_ =	shalt  }
0x74: {  	_ =	shalt  }
0x75: {  	_ =	shalt  }
0x76: {  	_ =	shalt  }
0x77: {  	_ =	shalt  }
0x78: {  	_ =	shalt  }
0x79: {  	_ =	shalt  }
0x7a: {  	_ =	shalt  }
0x7b: {  	_ =	shalt  }
0x7c: {  	_ =	shalt  }
0x7d: {  	_ =	shalt  }
0x7e: {  	_ =	shalt  }
0x7f: {  	_ =	shalt  }
0x80: {  	_ =	shalt  }
0x81: {  	_ =	shalt  }
0x82: {  	_ =	shalt  }
0x83: {  	_ =	shalt  }
0x84: {  	_ =	shalt  }
0x85: {  	_ =	shalt  }
0x86: {  	_ =	shalt  }
0x87: {  	_ =	shalt  }
.Lfunc_end0:
.L_simem_size_0:
called_computation_lowered:
.L_overlay_start_0:
0x88: {  	s2 =	sld [smem:$0x3FD9]  }
0x89: {  	s3 =	sld [smem:$0x3FFE];
	_ =	sdelay $0x1  }
0x8a: {  	s1 =	srdreg.scid  }
0x8b: {  	s0 =	sand.u32 $0x1, s1  }
0x8c: {  	s17 =	sshll.u32 s0, $0xA;
	s2 =	sadd.s32 s3, s2  }
0x8d: {  	s2 =	sadd.s32 s2, s17  }
0x8e: {  	[smem:$0x3FC6] =	sst s2  }
0x8f: {  	_ = 	snop  }
0x90: {  	s2 =	sld [smem:$0x3FC8];
	(tm) =	ssettm $0x1  }
0x91: {  	s18 =	sld [smem:$0x3FFB];
	_ =	sdelay $0x3  }
0x92: {  	_ =	strace s18  }
0x93: {  	s3 =	sld [smem:$0x3FFC];
	_ =	sdelay $0x3  }
0x94: {  	_ =	strace s3  }
0x95: {  	s3 =	sld [smem:$0x3FFD];
	_ =	sdelay $0x3  }
0x96: {  	_ =	strace s3  }
0x97: {  	_ =	strace $0x8FFFFFFF  }
0x98: {  	s19 =	sld [smem:$0x3FDB];
	_ =	sdelay $0x1  }
0x99: {  	s4 =	simm.s32 $_scs_section_size  }
0x9a: {  	s5 =	simm.s32 $_size__tile_overlayer_lowered;
	s6 =	simm.s32 $_tile_overlayer_lowered  }
0x9b: {  	s22 =	simm.s32 $0x1BFF;
	s21 =	sshll.u32 s6, $0x1;
	s3 =	sadd.s32 s4, s19  }
0x9c: {  	s7 =	simm.s32 $0x0;
	s20 =	sshll.u32 s5, $0x1;
	s5 =	sadd.s32 s21, s3  }
0x9d: {  	[timem:s7], [sflag:s22] =	dma.local [hbm:s5], s20  }
0x9e: {  	_ =	swait.ge [sflag:s22], s20  }
0x9f: {  	s4 =	ssub.s32 $0x0, s20;
	[sflag:s22] =	ssyncset.done $0x0  }
0xa0: {  	[sflag:s22] =	ssyncadd.s32 s4;
	_ =	sdelay $0x1  }
0xa1: {  	s23 =	simm.s32 $0x1B8B  }
0xa2: {  	_ =	swait.ge [sflag:s23], $0x1  }
0xa3: {  	[sflag:s23] =	ssyncset.done $0x0  }
0xa4: {  	s25 =	simm.s32 $0x1B8E;
	s24 =	sld [smem:$0x3FFE];
	[sflag:s23] =	ssyncadd.s32 $0xFFFFFFFF  }
0xa5: {  	s26 =	simm.s32 $execute0_lowered;
	[smem:$0x3FD2] =	sst s25  }
0xa6: {  	s5 =	sshll.u32 s26, $0x1;
	_ =	strace $0x80000046;
	[dreg:$0x1] =	wrdreg $0xFFFFFFFF  }
0xa7: {  	s28 =	simm.s32 $_size_execute0_lowered;
	s3 =	sadd.s32 s3, s5;
	[dreg:$0x0] =	wrdreg $0x0  }
0xa8: {  	s5 =	sshll.u32 s28, $0x1;
	[dreg:$0x2] =	wrdreg s3  }
0xa9: {  	[dreg:$0x3] =	wrdreg s5  }
0xaa: {  	[dreg:$0x4] =	wrdreg $0xC0  }
0xab: {  	_ =	task [dreg:s7], $0x5FFFF  }
0xac: {  	[dreg:$0x1] =	wrdreg $0xFFFFFFFF  }
0xad: {  	[dreg:$0x0] =	wrdreg $0x60  }
0xae: {  	[dreg:$0x2] =	wrdreg s2  }
0xaf: {  	[dreg:$0x3] =	wrdreg s24  }
0xb0: {  	[dreg:$0x4] =	wrdreg $0x9  }
0xb1: {  	_ =	task.clear_ibuf [dreg:s7], $0x5FFFF;
	_ =	strace $0x90000046  }
0xb2: {  	s29 =	simm.s32 $0x9;
	_ =	strace $0x80000048  }
0xb3: {  	_ =	swait.ge [sflag:s29], $0x1  }
0xb4: {  	[sflag:s29] =	ssyncadd.s32 $0xFFFFFFFF  }
0xb5: {  	_ =	strace $0x90000048  }
0xb6: {  	_ =	sfence  }
0xb7: {  	s30 =	sld [smem:$0x0];
	_ =	sdelay $0x2  }
0xb8: {  	s31 =	sshll.u32 s1, $0xD;
	s1 =	sshrl.u32 s1, $0x2  }
0xb9: {  	s3 =	sand.u32 $0x4000, s31;
	s1 =	sadd.s32 s1, s30  }
0xba: {  	s0 =	sor.u32 s3, s0;
	s1 =	sshll.u32 s1, $0x11  }
0xbb: {  	s0 =	sor.u32 s1, s0  }
0xbc: {  	s0 =	sadd.s32 $0x8F2B, s0  }
0xbd: {  	[sflag:s0] =	ssyncadd.remote.s32 $0x1  }
0xbe: {  	_ =	sfence.sel $0xFFFF  }
0xbf: {  	[dreg:$0x0] =	wrdreg $0xFFFFFFFF;
	(pc) =	sbr.abs _section_cstart, $3  }
0xc0: {  	[dreg:$0x1] =	wrdreg $0xFFFFFFFF  }
0xc1: {  	_ =	task.clear_ibuf [dreg:s7], $0x2FFFF;
	_ =	strace $0x9FFFFFFF  }
0xc2: {  	(tm) =	ssettm $0x7FFFFFFF  }
0xc3: {  	_ =	shalt  }
tec
execute0_lowered:
.L_overlay_start_1:
0x0: {  	(tag) =	ssettag $0x1  }
0x1: {  	s4 =	rddreg [dreg:$0x0]  }
0x2: {  	s5 =	srdreg.scid;
	s1 =	stileid.u32  }
0x3: {  	s3 =	rddreg [dreg:$0x1];
	s5 =	sand.u32 $0x1, s5;
	s6 =	sshll.u32 s1, $0x1  }
0x4: {  	s0 =	rddreg [dreg:$0x2];
	s6 =	sor.u32 s5, s6  }
0x5: {  	s2 =	simm.s32 $0x0;
	vm0 =	vmxor vm0, vm0;
	s10 =	simm.s32 $0x0;
	p0 =	seq.s32 s6, $0x1F  }
0x6: {  	[smem:$0x7FF] =	sst s2;
	s5 =	ssub.s32 $0x2, s5;
	s9 =	smul.u32 $0xF40, s6;
	vm0 =	vmneg @p0 vm0  }
0x7: {  	_ =	strace $0x80000047;
	s7 =	sshll.u32 s6, $0xB;
	s8 =	sshrl.u32 s5, $0x1  }
0x8: {  	s7 =	sadd.s32 s7, s3;
	s8 =	ssub.s32 s5, s8;
	s3 =	sadd.s32 s4, s9  }
0x9: {  	s4 =	sadd.s32 $0x1E800, s4;
	s5 =	sadd.s32 $0xA00, s7;
	s6 =	smax.u32 s8, $0x1  }
0xa: {  	v0 =	vimm.s32 $0x0;
	v1 =	vimm.s32 $0x1;
	s7 =	simm.s32 $0x1;
	s8 =	simm.s32 $0x7C80;
	s9 =	simm.s32 $0x7A00  }
.LBB2_1:
0xb: {  	s11 =	simm.s32 $0x7E80  }
0xc: {  	[tilespmem:s11+$0xFFFFFE00] =	vst v0  }
0xd: {  	[tilespmem:s11+$0x1F0] =	vst v0  }
0xe: {  	[tilespmem:s11+$0x1E0] =	vst v0  }
0xf: {  	[tilespmem:s11+$0x1D0] =	vst v0  }
0x10: {  	[tilespmem:s11+$0x1C0] =	vst v0  }
0x11: {  	[tilespmem:s11+$0x1B0] =	vst v0  }
0x12: {  	[tilespmem:s11+$0x1A0] =	vst v0  }
0x13: {  	[tilespmem:s11+$0x190] =	vst v0  }
0x14: {  	[tilespmem:s11+$0x180] =	vst v0  }
0x15: {  	[tilespmem:s11+$0x170] =	vst v0  }
0x16: {  	[tilespmem:s11+$0x160] =	vst v0  }
0x17: {  	[tilespmem:s11+$0x150] =	vst v0  }
0x18: {  	[tilespmem:s11+$0x140] =	vst v0  }
0x19: {  	[tilespmem:s11+$0x130] =	vst v0  }
0x1a: {  	[tilespmem:s11+$0x120] =	vst v0  }
0x1b: {  	[tilespmem:s11+$0x110] =	vst v0  }
0x1c: {  	[tilespmem:s11+$0x100] =	vst v0  }
0x1d: {  	[tilespmem:s11+$0xF0] =	vst v0  }
0x1e: {  	[tilespmem:s11+$0xE0] =	vst v0  }
0x1f: {  	[tilespmem:s11+$0xD0] =	vst v0  }
0x20: {  	[tilespmem:s11+$0xC0] =	vst v0  }
0x21: {  	[tilespmem:s11+$0xB0] =	vst v0  }
0x22: {  	[tilespmem:s11+$0xA0] =	vst v0  }
0x23: {  	[tilespmem:s11+$0x90] =	vst v0  }
0x24: {  	[tilespmem:s11+$0x80] =	vst v0  }
0x25: {  	[tilespmem:s11+$0x70] =	vst v0  }
0x26: {  	[tilespmem:s11+$0x60] =	vst v0  }
0x27: {  	[tilespmem:s11+$0x50] =	vst v0  }
0x28: {  	[tilespmem:s11+$0x40] =	vst v0  }
0x29: {  	[tilespmem:s11+$0x30] =	vst v0  }
0x2a: {  	[tilespmem:s11+$0x20] =	vst v0  }
0x2b: {  	[tilespmem:s11+$0x10] =	vst v0  }
0x2c: {  	[tilespmem:s11+$0x0] =	vst v0  }
0x2d: {  	[tilespmem:s11+$0xFFFFFFF0] =	vst v0  }
0x2e: {  	[tilespmem:s11+$0xFFFFFFE0] =	vst v0  }
0x2f: {  	[tilespmem:s11+$0xFFFFFFD0] =	vst v0  }
0x30: {  	[tilespmem:s11+$0xFFFFFFC0] =	vst v0  }
0x31: {  	[tilespmem:s11+$0xFFFFFFB0] =	vst v0  }
0x32: {  	[tilespmem:s11+$0xFFFFFFA0] =	vst v0  }
0x33: {  	[tilespmem:s11+$0xFFFFFF90] =	vst v0  }
0x34: {  	[tilespmem:s11+$0xFFFFFF80] =	vst v0  }
0x35: {  	[tilespmem:s11+$0xFFFFFF70] =	vst v0  }
0x36: {  	[tilespmem:s11+$0xFFFFFF60] =	vst v0  }
0x37: {  	[tilespmem:s11+$0xFFFFFF50] =	vst v0  }
0x38: {  	[tilespmem:s11+$0xFFFFFF40] =	vst v0  }
0x39: {  	[tilespmem:s11+$0xFFFFFF30] =	vst v0  }
0x3a: {  	[tilespmem:s11+$0xFFFFFF20] =	vst v0  }
0x3b: {  	[tilespmem:s11+$0xFFFFFF10] =	vst v0  }
0x3c: {  	[tilespmem:s11+$0xFFFFFF00] =	vst v0  }
0x3d: {  	[tilespmem:s11+$0xFFFFFEF0] =	vst v0  }
0x3e: {  	[tilespmem:s11+$0xFFFFFEE0] =	vst v0  }
0x3f: {  	[tilespmem:s11+$0xFFFFFED0] =	vst v0  }
0x40: {  	[tilespmem:s11+$0xFFFFFEC0] =	vst v0  }
0x41: {  	[tilespmem:s11+$0xFFFFFEB0] =	vst v0  }
0x42: {  	[tilespmem:s11+$0xFFFFFEA0] =	vst v0  }
0x43: {  	[tilespmem:s11+$0xFFFFFE90] =	vst v0  }
0x44: {  	[tilespmem:s11+$0xFFFFFE80] =	vst v0  }
0x45: {  	[tilespmem:s11+$0xFFFFFE70] =	vst v0  }
0x46: {  	[tilespmem:s11+$0xFFFFFE60] =	vst v0  }
0x47: {  	[tilespmem:s11+$0xFFFFFE50] =	vst v0  }
0x48: {  	[tilespmem:s11+$0xFFFFFE40] =	vst v0  }
0x49: {  	[tilespmem:s11+$0xFFFFFE30] =	vst v0  }
0x4a: {  	s12 =	simm.s32 $0x0;
	[tilespmem:s11+$0xFFFFFE20] =	vst v0  }
.LBB2_2:
0x4b: {  	s12 =	sadd.s32 $0x8, s12;
	[tilespmem:s11+$0xFFFFFE10] =	vst v0;
	s11 =	sadd.s32 $0x400, s11  }
0x4c: {  	[tilespmem:s11+$0xFFFFFE00] =	vst v0;
	p0 =	slt.u32 s12, $0x78  }
0x4d: {  	[tilespmem:s11+$0x1F0] =	vst v0  }
0x4e: {  	[tilespmem:s11+$0x1E0] =	vst v0  }
0x4f: {  	[tilespmem:s11+$0x1D0] =	vst v0  }
0x50: {  	[tilespmem:s11+$0x1C0] =	vst v0  }
0x51: {  	[tilespmem:s11+$0x1B0] =	vst v0  }
0x52: {  	[tilespmem:s11+$0x1A0] =	vst v0  }
0x53: {  	[tilespmem:s11+$0x190] =	vst v0  }
0x54: {  	[tilespmem:s11+$0x180] =	vst v0  }
0x55: {  	[tilespmem:s11+$0x170] =	vst v0  }
0x56: {  	[tilespmem:s11+$0x160] =	vst v0  }
0x57: {  	[tilespmem:s11+$0x150] =	vst v0  }
0x58: {  	[tilespmem:s11+$0x140] =	vst v0  }
0x59: {  	[tilespmem:s11+$0x130] =	vst v0  }
0x5a: {  	[tilespmem:s11+$0x120] =	vst v0  }
0x5b: {  	[tilespmem:s11+$0x110] =	vst v0  }
0x5c: {  	[tilespmem:s11+$0x100] =	vst v0  }
0x5d: {  	[tilespmem:s11+$0xF0] =	vst v0  }
0x5e: {  	[tilespmem:s11+$0xE0] =	vst v0  }
0x5f: {  	[tilespmem:s11+$0xD0] =	vst v0  }
0x60: {  	[tilespmem:s11+$0xC0] =	vst v0  }
0x61: {  	[tilespmem:s11+$0xB0] =	vst v0  }
0x62: {  	[tilespmem:s11+$0xA0] =	vst v0  }
0x63: {  	[tilespmem:s11+$0x90] =	vst v0  }
0x64: {  	[tilespmem:s11+$0x80] =	vst v0  }
0x65: {  	[tilespmem:s11+$0x70] =	vst v0  }
0x66: {  	[tilespmem:s11+$0x60] =	vst v0  }
0x67: {  	[tilespmem:s11+$0x50] =	vst v0  }
0x68: {  	[tilespmem:s11+$0x40] =	vst v0  }
0x69: {  	[tilespmem:s11+$0x30] =	vst v0  }
0x6a: {  	[tilespmem:s11+$0x20] =	vst v0  }
0x6b: {  	[tilespmem:s11+$0x10] =	vst v0  }
0x6c: {  	[tilespmem:s11+$0x0] =	vst v0  }
0x6d: {  	[tilespmem:s11+$0xFFFFFFF0] =	vst v0  }
0x6e: {  	[tilespmem:s11+$0xFFFFFFE0] =	vst v0  }
0x6f: {  	[tilespmem:s11+$0xFFFFFFD0] =	vst v0  }
0x70: {  	[tilespmem:s11+$0xFFFFFFC0] =	vst v0  }
0x71: {  	[tilespmem:s11+$0xFFFFFFB0] =	vst v0  }
0x72: {  	[tilespmem:s11+$0xFFFFFFA0] =	vst v0  }
0x73: {  	[tilespmem:s11+$0xFFFFFF90] =	vst v0  }
0x74: {  	[tilespmem:s11+$0xFFFFFF80] =	vst v0  }
0x75: {  	[tilespmem:s11+$0xFFFFFF70] =	vst v0  }
0x76: {  	[tilespmem:s11+$0xFFFFFF60] =	vst v0  }
0x77: {  	[tilespmem:s11+$0xFFFFFF50] =	vst v0  }
0x78: {  	[tilespmem:s11+$0xFFFFFF40] =	vst v0  }
0x79: {  	[tilespmem:s11+$0xFFFFFF30] =	vst v0  }
0x7a: {  	[tilespmem:s11+$0xFFFFFF20] =	vst v0  }
0x7b: {  	[tilespmem:s11+$0xFFFFFF10] =	vst v0  }
0x7c: {  	[tilespmem:s11+$0xFFFFFF00] =	vst v0  }
0x7d: {  	[tilespmem:s11+$0xFFFFFEF0] =	vst v0  }
0x7e: {  	[tilespmem:s11+$0xFFFFFEE0] =	vst v0  }
0x7f: {  	[tilespmem:s11+$0xFFFFFED0] =	vst v0  }
0x80: {  	[tilespmem:s11+$0xFFFFFEC0] =	vst v0  }
0x81: {  	[tilespmem:s11+$0xFFFFFEB0] =	vst v0  }
0x82: {  	[tilespmem:s11+$0xFFFFFEA0] =	vst v0  }
0x83: {  	[tilespmem:s11+$0xFFFFFE90] =	vst v0  }
0x84: {  	[tilespmem:s11+$0xFFFFFE80] =	vst v0  }
0x85: {  	[tilespmem:s11+$0xFFFFFE70] =	vst v0  }
.Ltmp0:
0x86: {  	[tilespmem:s11+$0xFFFFFE60] =	vst v0;
	(pc) =	sbr.rel @p0 .LBB2_2-.Ltmp0, $4  }
0x87: {  	[tilespmem:s11+$0xFFFFFE50] =	vst v0  }
0x88: {  	[tilespmem:s11+$0xFFFFFE40] =	vst v0  }
0x89: {  	[tilespmem:s11+$0xFFFFFE30] =	vst v0  }
0x8a: {  	[tilespmem:s11+$0xFFFFFE20] =	vst v0  }
0x8b: {  	[tilespmem:s11+$0xFFFFFE10] =	vst v0  }
0x8c: {  	[tilespmem:s2], [sflag:$0x1] =	stream.linear.gather [hbm4b:s3+s2], $0x7A00, $0x38;
	[tilespmem:$0xBC80] =	vst v63  }
0x8d: {  	_ =	swait.ge [sflag:s7], $0x7A00  }
0x8e: {  	[sflag:s7] =	ssyncset.done $0x0  }
0x8f: {  	s11 =	simm.s32 $0x40;
	[sflag:s7] =	ssyncadd.s32 $0xFFFF8600  }
0x90: {  	v2 =	vld [tilespmem:s11+$0xFFFFFFC0];
	_ =	sdelay $0x4  }
0x91: {  	v3 =	vshra.s32 v2, $0x1F  }
0x92: {  	v3 =	vor.u32 $0x80000000, v3  }
0x93: {  	v2 =	vxor.u32 v2, v3  }
0x94: {  	v2 =	vshrl.u32 v2, $0x12;
	_ =	sdelay $0x4  }
0x95: {  	[tilespmem:v2+s8+$0x0] =	vst.idx.add.s32.msk $0xffff, v1  }
0x96: {  	v2 =	vld [tilespmem:s11+$0xFFFFFFD0]  }
0x97: {  	s12 =	simm.s32 $0xC0  }
0x98: {  	v3 =	vld [tilespmem:s12+$0xFFFFFFC0];
	_ =	sdelay $0x2  }
0x99: {  	v4 =	vshra.s32 v2, $0x1F  }
0x9a: {  	v4 =	vor.u32 $0x80000000, v4  }
0x9b: {  	v5 =	vshra.s32 v3, $0x1F;
	v2 =	vxor.u32 v2, v4  }
0x9c: {  	v4 =	vor.u32 $0x80000000, v5;
	v2 =	vshrl.u32 v2, $0x12  }
0x9d: {  	v3 =	vxor.u32 v3, v4  }
0x9e: {  	v3 =	vshrl.u32 v3, $0x12;
	_ =	sdelay $0x2  }
0x9f: {  	[tilespmem:v2+s8+$0x0] =	vst.idx.add.s32.msk $0xffff, v1  }
0xa0: {  	v2 =	vld [tilespmem:s11+$0xFFFFFFE0]  }
0xa1: {  	[tilespmem:v3+s8+$0x0] =	vst.idx.add.s32.msk $0xffff, v1  }
0xa2: {  	v3 =	vld [tilespmem:s12+$0xFFFFFFD0]  }
0xa3: {  	s13 =	simm.s32 $0x140  }
0xa4: {  	v4 =	vld [tilespmem:s13+$0xFFFFFFC0]  }
0xa5: {  	v5 =	vshra.s32 v2, $0x1F  }
0xa6: {  	v5 =	vor.u32 $0x80000000, v5  }
0xa7: {  	v6 =	vshra.s32 v3, $0x1F;
	v2 =	vxor.u32 v2, v5  }
0xa8: {  	v5 =	vor.u32 $0x80000000, v6;
	v2 =	vshrl.u32 v2, $0x12  }
0xa9: {  	v6 =	vshra.s32 v4, $0x1F;
	v3 =	vxor.u32 v3, v5  }
0xaa: {  	v5 =	vor.u32 $0x80000000, v6;
	v3 =	vshrl.u32 v3, $0x12  }
0xab: {  	v4 =	vxor.u32 v4, v5  }
0xac: {  	v4 =	vshrl.u32 v4, $0x12  }
0xad: {  	[tilespmem:v2+s8+$0x0] =	vst.idx.add.s32.msk $0xffff, v1  }
0xae: {  	v2 =	vld [tilespmem:s11+$0xFFFFFFF0]  }
0xaf: {  	[tilespmem:v3+s8+$0x0] =	vst.idx.add.s32.msk $0xffff, v1  }
0xb0: {  	v3 =	vld [tilespmem:s12+$0xFFFFFFE0]  }
0xb1: {  	[tilespmem:v4+s8+$0x0] =	vst.idx.add.s32.msk $0xffff, v1  }
0xb2: {  	v4 =	vld [tilespmem:s13+$0xFFFFFFD0]  }
0xb3: {  	s14 =	simm.s32 $0x1C0;
	v5 =	vshra.s32 v2, $0x1F  }
0xb4: {  	v6 =	vld [tilespmem:s14+$0xFFFFFFC0];
	v5 =	vor.u32 $0x80000000, v5  }
0xb5: {  	v7 =	vshra.s32 v3, $0x1F;
	v2 =	vxor.u32 v2, v5  }
0xb6: {  	v5 =	vor.u32 $0x80000000, v7;
	v2 =	vshrl.u32 v2, $0x12  }
0xb7: {  	v7 =	vshra.s32 v4, $0x1F;
	v3 =	vxor.u32 v3, v5  }
0xb8: {  	v5 =	vor.u32 $0x80000000, v7;
	v3 =	vshrl.u32 v3, $0x12  }
0xb9: {  	v7 =	vshra.s32 v6, $0x1F;
	v4 =	vxor.u32 v4, v5  }
0xba: {  	v5 =	vor.u32 $0x80000000, v7;
	v4 =	vshrl.u32 v4, $0x12  }
0xbb: {  	v5 =	vxor.u32 v6, v5;
	[tilespmem:v2+s8+$0x0] =	vst.idx.add.s32.msk $0xffff, v1  }
0xbc: {  	v2 =	vshrl.u32 v5, $0x12;
	v5 =	vld [tilespmem:s11+$0x0]  }
0xbd: {  	[tilespmem:v3+s8+$0x0] =	vst.idx.add.s32.msk $0xffff, v1  }
0xbe: {  	v3 =	vld [tilespmem:s12+$0xFFFFFFF0]  }
0xbf: {  	[tilespmem:v4+s8+$0x0] =	vst.idx.add.s32.msk $0xffff, v1  }
0xc0: {  	v4 =	vld [tilespmem:s13+$0xFFFFFFE0]  }
0xc1: {  	[tilespmem:v2+s8+$0x0] =	vst.idx.add.s32.msk $0xffff, v1;
	v2 =	vshra.s32 v5, $0x1F  }
0xc2: {  	v6 =	vld [tilespmem:s14+$0xFFFFFFD0];
	v2 =	vor.u32 $0x80000000, v2  }
0xc3: {  	s15 =	simm.s32 $0x240;
	v7 =	vshra.s32 v3, $0x1F;
	v2 =	vxor.u32 v5, v2  }
0xc4: {  	v5 =	vor.u32 $0x80000000, v7;
	v7 =	vld [tilespmem:s15+$0xFFFFFFC0];
	v2 =	vshrl.u32 v2, $0x12  }
0xc5: {  	v8 =	vshra.s32 v4, $0x1F;
	v3 =	vxor.u32 v3, v5  }
0xc6: {  	v5 =	vor.u32 $0x80000000, v8;
	v3 =	vshrl.u32 v3, $0x12  }
0xc7: {  	v4 =	vxor.u32 v4, v5;
	v8 =	vshra.s32 v6, $0x1F  }
0xc8: {  	v4 =	vshrl.u32 v4, $0x12;
	v5 =	vor.u32 $0x80000000, v8  }
0xc9: {  	v5 =	vxor.u32 v6, v5;
	[tilespmem:v2+s8+$0x0] =	vst.idx.add.s32.msk $0xffff, v1;
	v2 =	vshra.s32 v7, $0x1F  }
0xca: {  	v5 =	vshrl.u32 v5, $0x12;
	v6 =	vld [tilespmem:s11+$0x10];
	v2 =	vor.u32 $0x80000000, v2  }
0xcb: {  	[tilespmem:v3+s8+$0x0] =	vst.idx.add.s32.msk $0xffff, v1;
	v2 =	vxor.u32 v7, v2  }
0xcc: {  	v3 =	vld [tilespmem:s12+$0x0];
	v2 =	vshrl.u32 v2, $0x12  }
0xcd: {  	[tilespmem:v4+s8+$0x0] =	vst.idx.add.s32.msk $0xffff, v1  }
0xce: {  	v4 =	vld [tilespmem:s13+$0xFFFFFFF0]  }
0xcf: {  	[tilespmem:v5+s8+$0x0] =	vst.idx.add.s32.msk $0xffff, v1;
	v5 =	vshra.s32 v6, $0x1F  }
0xd0: {  	v7 =	vld [tilespmem:s14+$0xFFFFFFE0];
	v5 =	vor.u32 $0x80000000, v5  }
0xd1: {  	v8 =	vshra.s32 v3, $0x1F;
	v5 =	vxor.u32 v6, v5;
	[tilespmem:v2+s8+$0x0] =	vst.idx.add.s32.msk $0xffff, v1  }
0xd2: {  	v2 =	vor.u32 $0x80000000, v8;
	v5 =	vshrl.u32 v5, $0x12;
	v6 =	vld [tilespmem:s15+$0xFFFFFFD0]  }
0xd3: {  	s16 =	simm.s32 $0x2C0;
	v8 =	vshra.s32 v4, $0x1F;
	v2 =	vxor.u32 v3, v2  }
0xd4: {  	v3 =	vor.u32 $0x80000000, v8;
	v8 =	vld [tilespmem:s16+$0xFFFFFFC0];
	v2 =	vshrl.u32 v2, $0x12  }
0xd5: {  	v3 =	vxor.u32 v4, v3;
	v9 =	vshra.s32 v7, $0x1F  }
0xd6: {  	v3 =	vshrl.u32 v3, $0x12;
	v4 =	vor.u32 $0x80000000, v9  }
0xd7: {  	v4 =	vxor.u32 v7, v4;
	[tilespmem:v5+s8+$0x0] =	vst.idx.add.s32.msk $0xffff, v1;
	v5 =	vshra.s32 v6, $0x1F  }
0xd8: {  	v4 =	vshrl.u32 v4, $0x12;
	v7 =	vld [tilespmem:s11+$0x20];
	v5 =	vor.u32 $0x80000000, v5  }
0xd9: {  	[tilespmem:v2+s8+$0x0] =	vst.idx.add.s32.msk $0xffff, v1;
	v2 =	vshra.s32 v8, $0x1F;
	v5 =	vxor.u32 v6, v5  }
0xda: {  	v6 =	vld [tilespmem:s12+$0x10];
	v2 =	vor.u32 $0x80000000, v2;
	v5 =	vshrl.u32 v5, $0x12  }
0xdb: {  	[tilespmem:v3+s8+$0x0] =	vst.idx.add.s32.msk $0xffff, v1;
	v2 =	vxor.u32 v8, v2  }
0xdc: {  	v9 =	vld [tilespmem:s13+$0x0];
	v3 =	vshrl.u32 v2, $0x12  }
0xdd: {  	[tilespmem:v4+s8+$0x0] =	vst.idx.add.s32.msk $0xffff, v1;
	v2 =	vshra.s32 v7, $0x1F  }
0xde: {  	v4 =	vld [tilespmem:s14+$0xFFFFFFF0];
	v2 =	vor.u32 $0x80000000, v2  }
0xdf: {  	v8 =	vshra.s32 v6, $0x1F;
	[tilespmem:v5+s8+$0x0] =	vst.idx.add.s32.msk $0xffff, v1;
	v2 =	vxor.u32 v7, v2  }
0xe0: {  	v7 =	vor.u32 $0x80000000, v8;
	v5 =	vld [tilespmem:s15+$0xFFFFFFE0];
	v2 =	vshrl.u32 v2, $0x12  }
0xe1: {  	v8 =	vshra.s32 v9, $0x1F;
	[tilespmem:v3+s8+$0x0] =	vst.idx.add.s32.msk $0xffff, v1;
	v3 =	vxor.u32 v6, v7  }
0xe2: {  	v7 =	vor.u32 $0x80000000, v8;
	v6 =	vld [tilespmem:s16+$0xFFFFFFD0];
	v3 =	vshrl.u32 v3, $0x12  }
0xe3: {  	s17 =	simm.s32 $0x28;
	s18 =	simm.s32 $0x340;
	v7 =	vxor.u32 v9, v7;
	v8 =	vshra.s32 v4, $0x1F  }
.LBB2_4:
0xe4: {  	v9 =	vld [tilespmem:s18+$0xFFFFFFC0];
	s17 =	sadd.s32 $0x8, s17;
	v8 =	vor.u32 $0x80000000, v8;
	v7 =	vshrl.u32 v7, $0x12  }
0xe5: {  	p0 =	slt.u32 s17, $0x798;
	v10 =	vshra.s32 v5, $0x1F;
	v4 =	vxor.u32 v4, v8;
	[tilespmem:v2+s8+$0x0] =	vst.idx.add.s32.msk $0xffff, v1  }
0xe6: {  	v2 =	vor.u32 $0x80000000, v10;
	v4 =	vshrl.u32 v4, $0x12;
	v8 =	vld [tilespmem:s11+$0x30];
	s11 =	smov.u32 s12;
	s12 =	smov.u32 s13;
	s13 =	smov.u32 s14  }
0xe7: {  	s14 =	smov.u32 s15;
	s15 =	smov.u32 s16;
	s16 =	smov.u32 s18;
	v10 =	vshra.s32 v6, $0x1F;
	v2 =	vxor.u32 v5, v2;
	[tilespmem:v3+s8+$0x0] =	vst.idx.add.s32.msk $0xffff, v1  }
0xe8: {  	v3 =	vor.u32 $0x80000000, v10;
	v2 =	vshrl.u32 v2, $0x12;
	v5 =	vld [tilespmem:s11+$0x20]  }
0xe9: {  	v10 =	vshra.s32 v9, $0x1F;
	v3 =	vxor.u32 v6, v3;
	[tilespmem:v7+s8+$0x0] =	vst.idx.add.s32.msk $0xffff, v1  }
0xea: {  	v6 =	vor.u32 $0x80000000, v10;
	v3 =	vshrl.u32 v3, $0x12;
	v7 =	vld [tilespmem:s12+$0x10]  }
0xeb: {  	v6 =	vxor.u32 v9, v6;
	[tilespmem:v4+s8+$0x0] =	vst.idx.add.s32.msk $0xffff, v1;
	v4 =	vshra.s32 v8, $0x1F  }
0xec: {  	v6 =	vshrl.u32 v6, $0x12;
	v9 =	vld [tilespmem:s13+$0x0];
	v4 =	vor.u32 $0x80000000, v4  }
0xed: {  	[tilespmem:v2+s8+$0x0] =	vst.idx.add.s32.msk $0xffff, v1;
	v2 =	vshra.s32 v5, $0x1F;
	v8 =	vxor.u32 v8, v4  }
0xee: {  	v4 =	vld [tilespmem:s14+$0xFFFFFFF0];
	v2 =	vor.u32 $0x80000000, v2;
	v10 =	vshrl.u32 v8, $0x12  }
.Ltmp1:
0xef: {  	[tilespmem:v3+s8+$0x0] =	vst.idx.add.s32.msk $0xffff, v1;
	v3 =	vshra.s32 v7, $0x1F;
	v2 =	vxor.u32 v5, v2;
	(pc) =	sbr.rel @p0 .LBB2_4-.Ltmp1, $4  }
0xf0: {  	v5 =	vld [tilespmem:s15+$0xFFFFFFE0];
	v3 =	vor.u32 $0x80000000, v3;
	v2 =	vshrl.u32 v2, $0x12  }
0xf1: {  	[tilespmem:v6+s8+$0x0] =	vst.idx.add.s32.msk $0xffff, v1;
	v8 =	vshra.s32 v9, $0x1F;
	v3 =	vxor.u32 v7, v3  }
0xf2: {  	v6 =	vld [tilespmem:s18+$0xFFFFFFD0];
	v7 =	vor.u32 $0x80000000, v8;
	v3 =	vshrl.u32 v3, $0x12  }
0xf3: {  	s18 =	sadd.s32 $0x80, s18;
	v8 =	vshra.s32 v4, $0x1F;
	v7 =	vxor.u32 v9, v7;
	[tilespmem:v10+s8+$0x0] =	vst.idx.add.s32.msk $0xffff, v1  }
0xf4: {  	_ =	sdelay $0x2  }
0xf5: {  	v9 =	vshra.s32 v6, $0x1F  }
0xf6: {  	v9 =	vor.u32 $0x80000000, v9  }
0xf7: {  	v6 =	vxor.u32 v6, v9  }
0xf8: {  	v6 =	vshrl.u32 v6, $0x12;
	_ =	sdelay $0x4  }
0xf9: {  	[tilespmem:v6+s8+$0x0] =	vst.idx.add.s32.msk $0xffff, v1  }
0xfa: {  	v6 =	vld [tilespmem:s16+$0xFFFFFFE0];
	_ =	sdelay $0x2  }
0xfb: {  	v9 =	vshra.s32 v5, $0x1F  }
0xfc: {  	v9 =	vor.u32 $0x80000000, v9  }
0xfd: {  	v5 =	vxor.u32 v5, v9;
	v9 =	vshra.s32 v6, $0x1F  }
0xfe: {  	v5 =	vshrl.u32 v5, $0x12;
	v9 =	vor.u32 $0x80000000, v9  }
0xff: {  	v6 =	vxor.u32 v6, v9  }
0x100: {  	v6 =	vshrl.u32 v6, $0x12;
	_ =	sdelay $0x2  }
0x101: {  	[tilespmem:v5+s8+$0x0] =	vst.idx.add.s32.msk $0xffff, v1  }
0x102: {  	v5 =	vld [tilespmem:s15+$0xFFFFFFF0]  }
0x103: {  	[tilespmem:v6+s8+$0x0] =	vst.idx.add.s32.msk $0xffff, v1  }
0x104: {  	v6 =	vld [tilespmem:s16+$0xFFFFFFF0];
	_ =	sdelay $0x1  }
0x105: {  	v8 =	vor.u32 $0x80000000, v8  }
0x106: {  	v4 =	vxor.u32 v4, v8;
	v8 =	vshra.s32 v5, $0x1F  }
0x107: {  	v4 =	vshrl.u32 v4, $0x12;
	v8 =	vor.u32 $0x80000000, v8  }
0x108: {  	v5 =	vxor.u32 v5, v8;
	v8 =	vshra.s32 v6, $0x1F  }
0x109: {  	v5 =	vshrl.u32 v5, $0x12;
	v8 =	vor.u32 $0x80000000, v8  }
0x10a: {  	v6 =	vxor.u32 v6, v8  }
0x10b: {  	v6 =	vshrl.u32 v6, $0x12  }
0x10c: {  	[tilespmem:v4+s8+$0x0] =	vst.idx.add.s32.msk $0xffff, v1  }
0x10d: {  	v4 =	vld [tilespmem:s14+$0x0]  }
0x10e: {  	[tilespmem:v5+s8+$0x0] =	vst.idx.add.s32.msk $0xffff, v1  }
0x10f: {  	v5 =	vld [tilespmem:s15+$0x0]  }
0x110: {  	[tilespmem:v6+s8+$0x0] =	vst.idx.add.s32.msk $0xffff, v1  }
0x111: {  	v6 =	vld [tilespmem:s16+$0x0]  }
0x112: {  	v8 =	vshra.s32 v4, $0x1F  }
0x113: {  	v7 =	vshrl.u32 v7, $0x12;
	v8 =	vor.u32 $0x80000000, v8  }
0x114: {  	v4 =	vxor.u32 v4, v8;
	v8 =	vshra.s32 v5, $0x1F  }
0x115: {  	v4 =	vshrl.u32 v4, $0x12;
	v8 =	vor.u32 $0x80000000, v8  }
0x116: {  	v5 =	vxor.u32 v5, v8;
	v8 =	vshra.s32 v6, $0x1F  }
0x117: {  	v5 =	vshrl.u32 v5, $0x12;
	v8 =	vor.u32 $0x80000000, v8  }
0x118: {  	[tilespmem:v7+s8+$0x0] =	vst.idx.add.s32.msk $0xffff, v1;
	v6 =	vxor.u32 v6, v8  }
0x119: {  	v7 =	vld [tilespmem:s13+$0x10];
	v6 =	vshrl.u32 v6, $0x12  }
0x11a: {  	[tilespmem:v4+s8+$0x0] =	vst.idx.add.s32.msk $0xffff, v1  }
0x11b: {  	v4 =	vld [tilespmem:s14+$0x10]  }
0x11c: {  	[tilespmem:v5+s8+$0x0] =	vst.idx.add.s32.msk $0xffff, v1  }
0x11d: {  	v5 =	vld [tilespmem:s15+$0x10]  }
0x11e: {  	v8 =	vshra.s32 v7, $0x1F;
	[tilespmem:v6+s8+$0x0] =	vst.idx.add.s32.msk $0xffff, v1  }
0x11f: {  	v6 =	vor.u32 $0x80000000, v8;
	v8 =	vld [tilespmem:s16+$0x10]  }
0x120: {  	v6 =	vxor.u32 v7, v6;
	v7 =	vshra.s32 v4, $0x1F  }
0x121: {  	v6 =	vshrl.u32 v6, $0x12;
	v7 =	vor.u32 $0x80000000, v7  }
0x122: {  	v4 =	vxor.u32 v4, v7;
	v7 =	vshra.s32 v5, $0x1F  }
0x123: {  	v4 =	vshrl.u32 v4, $0x12;
	v7 =	vor.u32 $0x80000000, v7  }
0x124: {  	[tilespmem:v3+s8+$0x0] =	vst.idx.add.s32.msk $0xffff, v1;
	v3 =	vxor.u32 v5, v7;
	v5 =	vshra.s32 v8, $0x1F  }
0x125: {  	v7 =	vld [tilespmem:s12+$0x20];
	v3 =	vshrl.u32 v3, $0x12;
	v5 =	vor.u32 $0x80000000, v5  }
0x126: {  	[tilespmem:v6+s8+$0x0] =	vst.idx.add.s32.msk $0xffff, v1;
	v5 =	vxor.u32 v8, v5  }
0x127: {  	v6 =	vld [tilespmem:s13+$0x20];
	v5 =	vshrl.u32 v5, $0x12  }
0x128: {  	[tilespmem:v4+s8+$0x0] =	vst.idx.add.s32.msk $0xffff, v1  }
0x129: {  	v4 =	vld [tilespmem:s14+$0x20]  }
0x12a: {  	v8 =	vshra.s32 v7, $0x1F;
	[tilespmem:v3+s8+$0x0] =	vst.idx.add.s32.msk $0xffff, v1  }
0x12b: {  	v3 =	vor.u32 $0x80000000, v8;
	v8 =	vld [tilespmem:s15+$0x20]  }
0x12c: {  	v3 =	vxor.u32 v7, v3;
	v7 =	vshra.s32 v6, $0x1F;
	[tilespmem:v5+s8+$0x0] =	vst.idx.add.s32.msk $0xffff, v1  }
0x12d: {  	v3 =	vshrl.u32 v3, $0x12;
	v5 =	vor.u32 $0x80000000, v7;
	v7 =	vld [tilespmem:s16+$0x20]  }
0x12e: {  	v5 =	vxor.u32 v6, v5;
	v6 =	vshra.s32 v4, $0x1F  }
0x12f: {  	v5 =	vshrl.u32 v5, $0x12;
	v6 =	vor.u32 $0x80000000, v6  }
0x130: {  	[tilespmem:v2+s8+$0x0] =	vst.idx.add.s32.msk $0xffff, v1;
	v2 =	vxor.u32 v4, v6;
	v4 =	vshra.s32 v8, $0x1F  }
0x131: {  	v6 =	vld [tilespmem:s11+$0x30];
	v2 =	vshrl.u32 v2, $0x12;
	v4 =	vor.u32 $0x80000000, v4  }
0x132: {  	[tilespmem:v3+s8+$0x0] =	vst.idx.add.s32.msk $0xffff, v1;
	v3 =	vxor.u32 v8, v4;
	v4 =	vshra.s32 v7, $0x1F  }
0x133: {  	v8 =	vld [tilespmem:s12+$0x30];
	v3 =	vshrl.u32 v3, $0x12;
	v4 =	vor.u32 $0x80000000, v4  }
0x134: {  	[tilespmem:v5+s8+$0x0] =	vst.idx.add.s32.msk $0xffff, v1;
	v4 =	vxor.u32 v7, v4  }
0x135: {  	v5 =	vld [tilespmem:s13+$0x30];
	v4 =	vshrl.u32 v4, $0x12  }
0x136: {  	[tilespmem:v2+s8+$0x0] =	vst.idx.add.s32.msk $0xffff, v1  }
0x137: {  	v2 =	vld [tilespmem:s14+$0x30]  }
0x138: {  	[tilespmem:v3+s8+$0x0] =	vst.idx.add.s32.msk $0xffff, v1  }
0x139: {  	v3 =	vld [tilespmem:s15+$0x30]  }
0x13a: {  	v7 =	vshra.s32 v6, $0x1F;
	[tilespmem:v4+s8+$0x0] =	vst.idx.add.s32.msk $0xffff, v1  }
0x13b: {  	v4 =	vor.u32 $0x80000000, v7;
	v7 =	vshra.s32 v8, $0x1F;
	v9 =	vld [tilespmem:s16+$0x30]  }
0x13c: {  	v4 =	vxor.u32 v6, v4;
	v6 =	vor.u32 $0x80000000, v7;
	v7 =	vshra.s32 v5, $0x1F  }
0x13d: {  	v4 =	vshrl.u32 v4, $0x12;
	v6 =	vxor.u32 v8, v6;
	v7 =	vor.u32 $0x80000000, v7  }
0x13e: {  	v6 =	vshrl.u32 v6, $0x12;
	v5 =	vxor.u32 v5, v7;
	v7 =	vshra.s32 v2, $0x1F  }
0x13f: {  	v8 =	vshra.s32 v3, $0x1F;
	v5 =	vshrl.u32 v5, $0x12;
	v7 =	vor.u32 $0x80000000, v7  }
0x140: {  	v2 =	vxor.u32 v2, v7;
	v7 =	vor.u32 $0x80000000, v8;
	v8 =	vshra.s32 v9, $0x1F  }
0x141: {  	v2 =	vshrl.u32 v2, $0x12;
	v3 =	vxor.u32 v3, v7;
	v7 =	vor.u32 $0x80000000, v8  }
0x142: {  	v3 =	vshrl.u32 v3, $0x12;
	v7 =	vxor.u32 v9, v7  }
0x143: {  	[tilespmem:v4+s8+$0x0] =	vst.idx.add.s32.msk $0xffff, v1;
	v4 =	vshrl.u32 v7, $0x12  }
0x144: {  	[tilespmem:v6+s8+$0x0] =	vst.idx.add.s32.msk $0xffff, v1  }
0x145: {  	[tilespmem:v5+s8+$0x0] =	vst.idx.add.s32.msk $0xffff, v1  }
0x146: {  	[tilespmem:v2+s8+$0x0] =	vst.idx.add.s32.msk $0xffff, v1  }
0x147: {  	[tilespmem:v3+s8+$0x0] =	vst.idx.add.s32.msk $0xffff, v1  }
0x148: {  	[tilespmem:v4+s8+$0x0] =	vst.idx.add.s32.msk $0xffff, v1  }
0x149: {  	[tilespmem:s9], [sflag:$0x1] =	stream.linear.gather [hbm4b:s4+s2], $0x240, $0x38;
	[tilespmem:$0xBC80] =	vst v63  }
0x14a: {  	_ =	swait.ge [sflag:s7], $0x240  }
0x14b: {  	[sflag:s7] =	ssyncset.done $0x0  }
0x14c: {  	s31 =	simm.s32 $0x7A20;
	[sflag:s7] =	ssyncadd.s32 $0xFFFFFDC0  }
0x14d: {  	v2 =	vld [tilespmem:s31+$0xFFFFFFE0];
	_ =	sdelay $0x4  }
0x14e: {  	v3 =	vshra.s32 v2, $0x1F  }
0x14f: {  	v3 =	vor.u32 $0x80000000, v3  }
0x150: {  	s11 =	simm.s32 $0x7A60;
	v2 =	vxor.u32 v2, v3  }
0x151: {  	v3 =	vld [tilespmem:s11+$0xFFFFFFE0];
	v2 =	vshrl.u32 v2, $0x12;
	_ =	sdelay $0x4  }
0x152: {  	[tilespmem:v2+s8+$0x0] =	vst.idx.add.s32.msk vm0, v1;
	v2 =	vshra.s32 v3, $0x1F  }
0x153: {  	v4 =	vld [tilespmem:s31+$0xFFFFFFF0];
	v2 =	vor.u32 $0x80000000, v2  }
0x154: {  	s12 =	simm.s32 $0x7AA0;
	v2 =	vxor.u32 v3, v2  }
0x155: {  	v3 =	vld [tilespmem:s12+$0xFFFFFFE0];
	v2 =	vshrl.u32 v2, $0x12;
	_ =	sdelay $0x2  }
0x156: {  	v5 =	vshra.s32 v4, $0x1F  }
0x157: {  	v5 =	vor.u32 $0x80000000, v5  }
0x158: {  	v4 =	vxor.u32 v4, v5;
	v5 =	vshra.s32 v3, $0x1F;
	[tilespmem:v2+s8+$0x0] =	vst.idx.add.s32.msk vm0, v1  }
0x159: {  	v2 =	vshrl.u32 v4, $0x12;
	v4 =	vor.u32 $0x80000000, v5;
	v5 =	vld [tilespmem:s11+$0xFFFFFFF0]  }
0x15a: {  	s13 =	simm.s32 $0x7AE0;
	v3 =	vxor.u32 v3, v4  }
0x15b: {  	v4 =	vld [tilespmem:s13+$0xFFFFFFE0];
	v3 =	vshrl.u32 v3, $0x12;
	_ =	sdelay $0x2  }
0x15c: {  	[tilespmem:v2+s8+$0x0] =	vst.idx.add.s32.msk vm0, v1;
	v2 =	vshra.s32 v5, $0x1F  }
0x15d: {  	v6 =	vld [tilespmem:s31+$0x0];
	v2 =	vor.u32 $0x80000000, v2  }
0x15e: {  	v7 =	vshra.s32 v4, $0x1F;
	[tilespmem:v3+s8+$0x0] =	vst.idx.add.s32.msk vm0, v1;
	v2 =	vxor.u32 v5, v2  }
0x15f: {  	v3 =	vor.u32 $0x80000000, v7;
	v5 =	vld [tilespmem:s12+$0xFFFFFFF0];
	v2 =	vshrl.u32 v2, $0x12  }
0x160: {  	s14 =	simm.s32 $0x7B20;
	v3 =	vxor.u32 v4, v3  }
0x161: {  	v4 =	vld [tilespmem:s14+$0xFFFFFFE0];
	v3 =	vshrl.u32 v3, $0x12  }
0x162: {  	v7 =	vshra.s32 v6, $0x1F  }
0x163: {  	v7 =	vor.u32 $0x80000000, v7  }
0x164: {  	v6 =	vxor.u32 v6, v7;
	v7 =	vshra.s32 v5, $0x1F;
	[tilespmem:v2+s8+$0x0] =	vst.idx.add.s32.msk vm0, v1  }
0x165: {  	v2 =	vshrl.u32 v6, $0x12;
	v6 =	vor.u32 $0x80000000, v7;
	v7 =	vld [tilespmem:s11+$0x0]  }
0x166: {  	v8 =	vshra.s32 v4, $0x1F;
	[tilespmem:v3+s8+$0x0] =	vst.idx.add.s32.msk vm0, v1;
	v3 =	vxor.u32 v5, v6  }
0x167: {  	v5 =	vor.u32 $0x80000000, v8;
	v6 =	vld [tilespmem:s13+$0xFFFFFFF0];
	v3 =	vshrl.u32 v3, $0x12  }
0x168: {  	s15 =	simm.s32 $0x7B60;
	v4 =	vxor.u32 v4, v5  }
0x169: {  	v5 =	vld [tilespmem:s15+$0xFFFFFFE0];
	v8 =	vshrl.u32 v4, $0x12  }
0x16a: {  	[tilespmem:v2+s8+$0x0] =	vst.idx.add.s32.msk vm0, v1;
	v4 =	vshra.s32 v7, $0x1F  }
0x16b: {  	v2 =	vld [tilespmem:s31+$0x10];
	v4 =	vor.u32 $0x80000000, v4  }
0x16c: {  	v9 =	vshra.s32 v6, $0x1F;
	[tilespmem:v3+s8+$0x0] =	vst.idx.add.s32.msk vm0, v1;
	v4 =	vxor.u32 v7, v4  }
0x16d: {  	v7 =	vor.u32 $0x80000000, v9;
	v3 =	vld [tilespmem:s12+$0x0];
	v4 =	vshrl.u32 v4, $0x12  }
0x16e: {  	v9 =	vshra.s32 v5, $0x1F;
	[tilespmem:v8+s8+$0x0] =	vst.idx.add.s32.msk vm0, v1;
	v7 =	vxor.u32 v6, v7  }
0x16f: {  	v8 =	vor.u32 $0x80000000, v9;
	v6 =	vld [tilespmem:s14+$0xFFFFFFF0];
	v7 =	vshrl.u32 v7, $0x12  }
0x170: {  	s17 =	simm.s32 $0x7BA0;
	s16 =	simm.s32 $0x14;
	v8 =	vxor.u32 v5, v8;
	v5 =	vshra.s32 v2, $0x1F  }
.LBB2_6:
0x171: {  	v9 =	vld [tilespmem:s17+$0xFFFFFFE0];
	s16 =	sadd.s32 $0x4, s16;
	v8 =	vshrl.u32 v8, $0x12;
	v5 =	vor.u32 $0x80000000, v5  }
0x172: {  	p0 =	slt.u32 s16, $0x20;
	v10 =	vshra.s32 v3, $0x1F;
	[tilespmem:v4+s8+$0x0] =	vst.idx.add.s32.msk vm0, v1;
	v4 =	vxor.u32 v2, v5  }
0x173: {  	v5 =	vor.u32 $0x80000000, v10;
	v2 =	vld [tilespmem:s11+$0x10];
	v10 =	vshrl.u32 v4, $0x12;
	s11 =	smov.u32 s12;
	s12 =	smov.u32 s13;
	s13 =	smov.u32 s14  }
.Ltmp2:
0x174: {  	s14 =	smov.u32 s15;
	s15 =	smov.u32 s17;
	v4 =	vshra.s32 v6, $0x1F;
	[tilespmem:v7+s8+$0x0] =	vst.idx.add.s32.msk vm0, v1;
	v5 =	vxor.u32 v3, v5;
	(pc) =	sbr.rel @p0 .LBB2_6-.Ltmp2, $4  }
0x175: {  	v7 =	vor.u32 $0x80000000, v4;
	v3 =	vld [tilespmem:s12+$0x0];
	v4 =	vshrl.u32 v5, $0x12  }
0x176: {  	v5 =	vshra.s32 v9, $0x1F;
	[tilespmem:v8+s8+$0x0] =	vst.idx.add.s32.msk vm0, v1;
	v7 =	vxor.u32 v6, v7  }
0x177: {  	v5 =	vor.u32 $0x80000000, v5;
	v6 =	vld [tilespmem:s14+$0xFFFFFFF0];
	v7 =	vshrl.u32 v7, $0x12  }
0x178: {  	s17 =	sadd.s32 $0x40, s17;
	v8 =	vxor.u32 v9, v5;
	v5 =	vshra.s32 v2, $0x1F;
	[tilespmem:v10+s8+$0x0] =	vst.idx.add.s32.msk vm0, v1  }
0x179: {  	v8 =	vshrl.u32 v8, $0x12;
	_ =	sdelay $0x4  }
0x17a: {  	[tilespmem:v8+s8+$0x0] =	vst.idx.add.s32.msk vm0, v1  }
0x17b: {  	v8 =	vld [tilespmem:s15+$0xFFFFFFF0];
	_ =	sdelay $0x1  }
0x17c: {  	v9 =	vshra.s32 v6, $0x1F  }
0x17d: {  	v9 =	vor.u32 $0x80000000, v9  }
0x17e: {  	v45 =	vxor.u32 v6, v9  }
0x17f: {  	v6 =	vshrl.u32 v45, $0x12;
	v46 =	vshra.s32 v8, $0x1F  }
0x180: {  	v9 =	vor.u32 $0x80000000, v46  }
0x181: {  	v8 =	vxor.u32 v8, v9  }
0x182: {  	[tilespmem:v7+s8+$0x0] =	vst.idx.add.s32.msk vm0, v1;
	v8 =	vshrl.u32 v8, $0x12  }
0x183: {  	v7 =	vld [tilespmem:s13+$0x0]  }
0x184: {  	[tilespmem:v6+s8+$0x0] =	vst.idx.add.s32.msk vm0, v1  }
0x185: {  	v6 =	vld [tilespmem:s14+$0x0]  }
0x186: {  	v47 =	vshra.s32 v3, $0x1F  }
0x187: {  	v48 =	vor.u32 $0x80000000, v47;
	[tilespmem:v8+s8+$0x0] =	vst.idx.add.s32.msk vm0, v1  }
0x188: {  	v3 =	vxor.u32 v3, v48;
	v50 =	vshra.s32 v7, $0x1F;
	v49 =	vld [tilespmem:s15+$0x0]  }
0x189: {  	v3 =	vshrl.u32 v3, $0x12;
	v8 =	vor.u32 $0x80000000, v50  }
0x18a: {  	v51 =	vshra.s32 v6, $0x1F;
	v7 =	vxor.u32 v7, v8  }
0x18b: {  	v8 =	vor.u32 $0x80000000, v51;
	v7 =	vshrl.u32 v7, $0x12  }
0x18c: {  	[tilespmem:v4+s8+$0x0] =	vst.idx.add.s32.msk vm0, v1;
	v52 =	vxor.u32 v6, v8  }
0x18d: {  	v54 =	vld [tilespmem:s11+$0x10];
	v4 =	vshrl.u32 v52, $0x12;
	v53 =	vshra.s32 v49, $0x1F  }
0x18e: {  	[tilespmem:v3+s8+$0x0] =	vst.idx.add.s32.msk vm0, v1;
	v6 =	vor.u32 $0x80000000, v53  }
0x18f: {  	v55 =	vld [tilespmem:s12+$0x10];
	v3 =	vxor.u32 v49, v6  }
0x190: {  	[tilespmem:v7+s8+$0x0] =	vst.idx.add.s32.msk vm0, v1;
	v3 =	vshrl.u32 v3, $0x12  }
0x191: {  	v7 =	vld [tilespmem:s13+$0x10]  }
0x192: {  	[tilespmem:v4+s8+$0x0] =	vst.idx.add.s32.msk vm0, v1  }
0x193: {  	v4 =	vld [tilespmem:s14+$0x10];
	_ =	sdelay $0x1  }
0x194: {  	[tilespmem:v3+s8+$0x0] =	vst.idx.add.s32.msk vm0, v1  }
0x195: {  	v56 =	vshra.s32 v54, $0x1F;
	v58 =	vshra.s32 v55, $0x1F;
	v57 =	vld [tilespmem:s15+$0x10]  }
0x196: {  	v59 =	vshra.s32 v7, $0x1F;
	v3 =	vor.u32 $0x80000000, v5;
	v5 =	vor.u32 $0x80000000, v58  }
0x197: {  	v6 =	vor.u32 $0x80000000, v59;
	v60 =	vshra.s32 v4, $0x1F;
	v2 =	vxor.u32 v2, v3  }
0x198: {  	v3 =	vor.u32 $0x80000000, v56;
	v5 =	vxor.u32 v55, v5;
	v2 =	vshrl.u32 v2, $0x12  }
0x199: {  	v6 =	vxor.u32 v7, v6;
	v61 =	vor.u32 $0x80000000, v60;
	v5 =	vshrl.u32 v5, $0x12  }
0x19a: {  	v3 =	vxor.u32 v54, v3;
	v6 =	vshrl.u32 v6, $0x12;
	v62 =	vshra.s32 v57, $0x1F  }
0x19b: {  	v4 =	vxor.u32 v4, v61;
	v3 =	vshrl.u32 v3, $0x12;
	v63 =	vor.u32 $0x80000000, v62  }
0x19c: {  	v4 =	vshrl.u32 v4, $0x12;
	v7 =	vxor.u32 v57, v63  }
0x19d: {  	[tilespmem:v2+s8+$0x0] =	vst.idx.add.s32.msk vm0, v1;
	v2 =	vshrl.u32 v7, $0x12  }
0x19e: {  	[tilespmem:v5+s8+$0x0] =	vst.idx.add.s32.msk vm0, v1  }
0x19f: {  	[tilespmem:v6+s8+$0x0] =	vst.idx.add.s32.msk vm0, v1  }
0x1a0: {  	s10 =	sadd.s32 $0x1, s10;
	[tilespmem:v3+s8+$0x0] =	vst.idx.add.s32.msk vm0, v1  }
0x1a1: {  	p0 =	sne.s32 s10, s6;
	[tilespmem:v4+s8+$0x0] =	vst.idx.add.s32.msk vm0, v1  }
.Ltmp3:
0x1a2: {  	[tilespmem:v2+s8+$0x0] =	vst.idx.add.s32.msk vm0, v1;
	(pc) =	sbr.rel @p0 .LBB2_1-.Ltmp3, $4  }
0x1a3: {  	[hbm4b:s5+s2] =	stream.linear.scatter [tilespmem:s8], [sflag:$0x1], $0x4000, $0x38;
	[tilespmem:$0xBC80] =	vst v63  }
0x1a4: {  	_ =	swait.ge [sflag:s7], $0x4000  }
0x1a5: {  	[sflag:s7] =	ssyncset.done $0x0  }
0x1a6: {  	[sflag:s7] =	ssyncadd.s32 $0xFFFFC000  }
0x1a7: {  	_ =	sfence.sel $0x180000  }
0x1a8: {  	[bflag:$0x0] =	sbarrier.arrive $0xFFFF  }
0x1a9: {  	p0 =	sne.s32 s1, $0x0;
	_ =	strace $0x90000047  }
0x1aa: {  	s0 =	sadd.s32 @!p0 $0x100000, s0;
	[bflag:$0x2] =	sbarrier.arrive $0xFFFF  }
0x1ab: {  	[sflag:s0] =	ssyncadd.tile.s32 @!p0 $0x1;
	_ =	shalt  }
.Lfunc_end2:
_tile_overlayer_lowered:
.L_overlay_start_2:
0x1ac: {  	(tag) =	ssettag $0x2  }
0x1ad: {  	s0 =	rddreg [dreg:$0x0];
	s2 =	stileid.u32  }
0x1ae: {  	s1 =	rddreg [dreg:$0x1];
	p0 =	sne.s32 s2, $0x0  }
0x1af: {  	s3 =	rddreg [dreg:$0x2];
	[bflag:$0x3] =	sbarrier.arrive $0xFFFF;
	s2 =	simm.s32 @!p0 $0x1C01  }
0x1b0: {  	[timem:s3], [sflag:s2] =	dma.local @!p0 [hbm:s0], s1  }
0x1b1: {  	s0 =	simm.s32 @!p0 $0x1  }
0x1b2: {  	_ =	swait.ge @!p0 [sflag:s0], s1  }
0x1b3: {  	s1 =	ssub.s32 @!p0 $0x0, s1;
	[sflag:s0] =	ssyncset.done @!p0 $0x0  }
0x1b4: {  	[sflag:s0] =	ssyncadd.s32 @!p0 s1  }
0x1b5: {  	[bflag:$0x3] =	sbarrier.arrive $0xFFFF  }
0x1b6: {  	_ =	shalt  }

</sc_bundles>
